<compile_context>
chip_gen: v7x
topology: tpu7x:2x2x1
jax: 0.10.2.dev20260603
libtpu: 0.0.44.dev20260713+nightly
codegen_flags: <defaults>
</compile_context>

<pallas_src>
import functools

import jax
import jax.numpy as jnp
from jax import lax
from jax.experimental import pallas as pl
from jax.experimental.pallas import tpu as pltpu
from jax.experimental.pallas import tpu_sc as plsc

N = 10000
E = 320000
D = 128

NC = 2
NS = 16
NW = NC * NS
K = 128
CH0 = 112
CH1 = 46
CH_MAX = CH0
E_PAD = NS * K * (CH0 + CH1)
N_PAD = 10112
ROWS_PER_TILE = N_PAD // NS
L = 16

BN = 2000


def _sc_aggregate(x, packed_idx):
    mesh = plsc.VectorSubcoreMesh(core_axis_name="c", subcore_axis_name="s")

    @functools.partial(
        pl.kernel,
        out_type=jax.ShapeDtypeStruct((NC, N_PAD, D), jnp.float32),
        mesh=mesh,
        scratch_types=[
            pltpu.VMEM((CH_MAX * K,), jnp.int32),
            pltpu.VMEM((2, K), jnp.int32),
            pltpu.VMEM((K, D), jnp.float32),
            pltpu.VMEM_SHARED((N_PAD, D), jnp.float32),
        ],
    )
    def agg_kernel(x_hbm, pk_hbm, out_hbm,
                   pk_v, u_v, rows_v, acc_sh):
        c = lax.axis_index("c")
        s = lax.axis_index("s")
        wid = c * NS + s
        r0 = s * ROWS_PER_TILE
        @pl.loop(0, K)
        def _(r):
            for cc in range(0, D, L):
                rows_v[r, pl.ds(cc, L)] = jnp.zeros((L,), jnp.float32)

        for m in range(ROWS_PER_TILE // K):
            pltpu.sync_copy(rows_v, acc_sh.at[pl.ds(r0 + m * K, K)])
        _rem = ROWS_PER_TILE % K
        if _rem:
            pltpu.sync_copy(rows_v.at[pl.ds(0, _rem)],
                            acc_sh.at[pl.ds(r0 + (ROWS_PER_TILE // K) * K, _rem)])
        start = jnp.where(c == 0, s * (CH0 * K), NS * CH0 * K + s * (CH1 * K))
        pltpu.sync_copy(pk_hbm.at[pl.ds(start, CH_MAX * K)], pk_v)
        plsc.subcore_barrier()

        nch = jnp.where(c == 0, CH0, CH1)

        @pl.loop(0, nch)
        def _(j):
            for kk in range(0, K, L):
                v = pk_v[pl.ds(j * K + kk, L)]
                u_v[0, pl.ds(kk, L)] = v & 0xFFFF
                u_v[1, pl.ds(kk, L)] = lax.shift_right_logical(v, 16)
            pltpu.sync_copy(x_hbm.at[u_v.at[0]], rows_v)
            pltpu.sync_copy(rows_v, acc_sh.at[u_v.at[1]], add=True)

        plsc.subcore_barrier()
        pltpu.sync_copy(acc_sh.at[pl.ds(r0, ROWS_PER_TILE)],
                        out_hbm.at[c, pl.ds(r0, ROWS_PER_TILE)])

    return agg_kernel(x, packed_idx)


def _mlp_body(x_ref, p_ref, w1_ref, b1_ref, w2_ref, b2_ref, o_ref):
    h = x_ref[...] + p_ref[0] + p_ref[1]
    h = jnp.maximum(
        jnp.dot(h, w1_ref[...], preferred_element_type=jnp.float32) + b1_ref[...],
        0.0)
    h = jnp.dot(h, w2_ref[...], preferred_element_type=jnp.float32) + b2_ref[...]
    o_ref[...] = jnp.maximum(h, 0.0)


def _mlp(x, p, W1, b1, W2, b2):
    return pl.pallas_call(
        _mlp_body,
        grid=(N // BN,),
        in_specs=[
            pl.BlockSpec((BN, D), lambda i: (i, 0)),
            pl.BlockSpec((NC, BN, D), lambda i: (0, i, 0)),
            pl.BlockSpec((D, D), lambda i: (0, 0)),
            pl.BlockSpec((1, D), lambda i: (0, 0)),
            pl.BlockSpec((D, D), lambda i: (0, 0)),
            pl.BlockSpec((1, D), lambda i: (0, 0)),
        ],
        out_specs=pl.BlockSpec((BN, D), lambda i: (i, 0)),
        out_shape=jax.ShapeDtypeStruct((N, D), jnp.float32),
    )(x, p, W1, b1.reshape(1, D), W2, b2.reshape(1, D))


TOTAL = NS * CH0 * K + NS * CH1 * K + (CH_MAX - CH1) * K


def _pack_body(ei_ref, o_ref):
    o_ref[pl.ds(0, E)] = ei_ref[0] | (ei_ref[1] << 16)
    o_ref[pl.ds(E, TOTAL - E)] = jnp.full((TOTAL - E,), N << 16, jnp.int32)


def _pack(edge_index):
    return pl.pallas_call(
        _pack_body,
        out_shape=jax.ShapeDtypeStruct((TOTAL,), jnp.int32),
    )(edge_index)


def kernel(x, edge_index, W1, b1, W2, b2):
    packed = _pack(edge_index)
    p = _sc_aggregate(x, packed)
    return _mlp(x, p, W1, b1, W2, b2)

# --- scband reference (transcript-rebuilt; emitter-appended) ---
"""Pipeline reference for scband-ginlayer-7000796693167 (READ-ONLY COPY).

The authoritative reference and input builder live on the scoring server;
editing this copy changes nothing except your own understanding.
"""

import jax, jax.numpy as jnp
import numpy as np

N = 10000
E = 320000
D = 128
EPS = 0.0


def setup_inputs(seed: int = 0) -> dict:
    key = jax.random.key(seed)
    k1, k2, k3, k4, k5, k6 = jax.random.split(key, 6)
    x = jax.random.normal(k1, (N, D), dtype=jnp.float32)
    edge_index = jax.random.randint(k2, (2, E), 0, N, dtype=jnp.int32)
    # MLP params: Linear(D->D), ReLU, Dropout(0.0), Linear(D->D)
    W1 = jax.random.normal(k3, (D, D), dtype=jnp.float32) * (1.0 / np.sqrt(D))
    b1 = jax.random.normal(k4, (D,), dtype=jnp.float32) * 0.01
    W2 = jax.random.normal(k5, (D, D), dtype=jnp.float32) * (1.0 / np.sqrt(D))
    b2 = jax.random.normal(k6, (D,), dtype=jnp.float32) * 0.01
    return {"x": x, "edge_index": edge_index, "W1": W1, "b1": b1, "W2": W2, "b2": b2}


def reference(x, edge_index, W1, b1, W2, b2):
    # GINConv: h = MLP((1 + eps) * x + sum_{j in N(i)} x_j)
    src = edge_index[0]
    dst = edge_index[1]
    messages = jnp.take(x, src, axis=0)            # gather [E, D]
    agg = jax.ops.segment_sum(messages, dst, num_segments=N)  # scatter-add [N, D]
    h = (1.0 + EPS) * x + agg
    # MLP: Linear -> ReLU -> Dropout(p=0.0, no-op) -> Linear
    h = jnp.maximum(jnp.dot(h, W1) + b1, 0.0)
    h = jnp.dot(h, W2) + b2
    # outer activation ReLU, then Dropout(p=0.0, no-op)
    out = jnp.maximum(h, 0.0)
    return out

if __name__ == "__main__":
    import jax
    _d = setup_inputs()
    print(jax.jit(kernel)(*tuple(_d.values())))

</pallas_src>

<mosaic_0001>
#map = affine_map<(d0, d1) -> (0, 0)>
#map1 = affine_map<(d0, d1) -> (0)>
#map2 = affine_map<(d0, d1) -> (0, 0, 0)>
module attributes {stable_mosaic.version = 14 : i64} {
  func.func @agg_kernel(%arg0: i32, %arg1: i32, %arg2: memref<10000x128xf32, #tpu.memory_space<hbm>>, %arg3: memref<332032xi32, #tpu.memory_space<hbm>>, %arg4: memref<2x10112x128xf32, #tpu.memory_space<hbm>>, %arg5: memref<14336xi32, #tpu.memory_space<vmem>>, %arg6: memref<2x128xi32, #tpu.memory_space<vmem>>, %arg7: memref<128x128xf32, #tpu.memory_space<vmem>>, %arg8: memref<10112x128xf32, #tpu.memory_space<vmem_shared>>) attributes {dimension_semantics = [#tpu.dimension_semantics<core_parallel>, #tpu.dimension_semantics<subcore_parallel>], iteration_bounds = array<i64: 2, 16>, scalar_prefetch = 0 : i64, scratch_operands = 4 : i64, tpu.core_type = #tpu.core_type<sc_vector_subcore>, window_params = [{transform_indices = #map}, {transform_indices = #map1}, {transform_indices = #map2}]} {
    %mul3A = arith.constant 16 : i32
    %mul3A_0 = arith.muli %arg0, %mul3A : i32
    %add3A = arith.addi %mul3A_0, %arg1 : i32
    %mul3A_1 = arith.constant 632 : i32
    %mul3A_2 = arith.muli %arg1, %mul3A_1 : i32
    %scan3A = arith.constant 0 : i32
    %scan3A_3 = arith.constant 128 : i32
    %scan3A_4 = arith.addi %scan3A, %scan3A_3 : i32
    %scan3A_5 = arith.constant 1 : i32
    scf.for %scan3A_45 = %scan3A to %scan3A_4 step %scan3A_5  : i32 {
      %mul3A_46 = arith.constant 1 : i32
      %mul3A_47 = arith.muli %scan3A_45, %mul3A_46 : i32
      %add3A_48 = arith.constant 0 : i32
      %add3A_49 = arith.addi %add3A_48, %mul3A_47 : i32
      %broadcast_in_dim3A = arith.constant 0.000000e+00 : f32
      %broadcast_in_dim3A_50 = vector.broadcast %broadcast_in_dim3A : f32 to vector<16xf32>
      %swap3A = arith.index_cast %add3A_49 : i32 to index
      %swap3A_51 = arith.constant 0 : index
      %swap3A_52 = tpu.vector_load %arg7[%swap3A, %swap3A_51] {strides = array<i32>} : memref<128x128xf32, #tpu.memory_space<vmem>>, vector<1x16xf32>,
      %swap3A_53 = vector.shape_cast %swap3A_52 : vector<1x16xf32> to vector<16xf32>
      %swap3A_54 = vector.shape_cast %broadcast_in_dim3A_50 : vector<16xf32> to vector<1x16xf32>
      tpu.vector_store %arg7[%swap3A, %swap3A_51], %swap3A_54 {strides = array<i32>} : memref<128x128xf32, #tpu.memory_space<vmem>>, vector<1x16xf32>,
      %broadcast_in_dim3A_55 = arith.constant 0.000000e+00 : f32
      %broadcast_in_dim3A_56 = vector.broadcast %broadcast_in_dim3A_55 : f32 to vector<16xf32>
      %swap3A_57 = arith.index_cast %add3A_49 : i32 to index
      %swap3A_58 = arith.constant 16 : index
      %swap3A_59 = tpu.vector_load %arg7[%swap3A_57, %swap3A_58] {strides = array<i32>} : memref<128x128xf32, #tpu.memory_space<vmem>>, vector<1x16xf32>,
      %swap3A_60 = vector.shape_cast %swap3A_59 : vector<1x16xf32> to vector<16xf32>
      %swap3A_61 = vector.shape_cast %broadcast_in_dim3A_56 : vector<16xf32> to vector<1x16xf32>
      tpu.vector_store %arg7[%swap3A_57, %swap3A_58], %swap3A_61 {strides = array<i32>} : memref<128x128xf32, #tpu.memory_space<vmem>>, vector<1x16xf32>,
      %broadcast_in_dim3A_62 = arith.constant 0.000000e+00 : f32
      %broadcast_in_dim3A_63 = vector.broadcast %broadcast_in_dim3A_62 : f32 to vector<16xf32>
      %swap3A_64 = arith.index_cast %add3A_49 : i32 to index
      %swap3A_65 = arith.constant 32 : index
      %swap3A_66 = tpu.vector_load %arg7[%swap3A_64, %swap3A_65] {strides = array<i32>} : memref<128x128xf32, #tpu.memory_space<vmem>>, vector<1x16xf32>,
      %swap3A_67 = vector.shape_cast %swap3A_66 : vector<1x16xf32> to vector<16xf32>
      %swap3A_68 = vector.shape_cast %broadcast_in_dim3A_63 : vector<16xf32> to vector<1x16xf32>
      tpu.vector_store %arg7[%swap3A_64, %swap3A_65], %swap3A_68 {strides = array<i32>} : memref<128x128xf32, #tpu.memory_space<vmem>>, vector<1x16xf32>,
      %broadcast_in_dim3A_69 = arith.constant 0.000000e+00 : f32
      %broadcast_in_dim3A_70 = vector.broadcast %broadcast_in_dim3A_69 : f32 to vector<16xf32>
      %swap3A_71 = arith.index_cast %add3A_49 : i32 to index
      %swap3A_72 = arith.constant 48 : index
      %swap3A_73 = tpu.vector_load %arg7[%swap3A_71, %swap3A_72] {strides = array<i32>} : memref<128x128xf32, #tpu.memory_space<vmem>>, vector<1x16xf32>,
      %swap3A_74 = vector.shape_cast %swap3A_73 : vector<1x16xf32> to vector<16xf32>
      %swap3A_75 = vector.shape_cast %broadcast_in_dim3A_70 : vector<16xf32> to vector<1x16xf32>
      tpu.vector_store %arg7[%swap3A_71, %swap3A_72], %swap3A_75 {strides = array<i32>} : memref<128x128xf32, #tpu.memory_space<vmem>>, vector<1x16xf32>,
      %broadcast_in_dim3A_76 = arith.constant 0.000000e+00 : f32
      %broadcast_in_dim3A_77 = vector.broadcast %broadcast_in_dim3A_76 : f32 to vector<16xf32>
      %swap3A_78 = arith.index_cast %add3A_49 : i32 to index
      %swap3A_79 = arith.constant 64 : index
      %swap3A_80 = tpu.vector_load %arg7[%swap3A_78, %swap3A_79] {strides = array<i32>} : memref<128x128xf32, #tpu.memory_space<vmem>>, vector<1x16xf32>,
      %swap3A_81 = vector.shape_cast %swap3A_80 : vector<1x16xf32> to vector<16xf32>
      %swap3A_82 = vector.shape_cast %broadcast_in_dim3A_77 : vector<16xf32> to vector<1x16xf32>
      tpu.vector_store %arg7[%swap3A_78, %swap3A_79], %swap3A_82 {strides = array<i32>} : memref<128x128xf32, #tpu.memory_space<vmem>>, vector<1x16xf32>,
      %broadcast_in_dim3A_83 = arith.constant 0.000000e+00 : f32
      %broadcast_in_dim3A_84 = vector.broadcast %broadcast_in_dim3A_83 : f32 to vector<16xf32>
      %swap3A_85 = arith.index_cast %add3A_49 : i32 to index
      %swap3A_86 = arith.constant 80 : index
      %swap3A_87 = tpu.vector_load %arg7[%swap3A_85, %swap3A_86] {strides = array<i32>} : memref<128x128xf32, #tpu.memory_space<vmem>>, vector<1x16xf32>,
      %swap3A_88 = vector.shape_cast %swap3A_87 : vector<1x16xf32> to vector<16xf32>
      %swap3A_89 = vector.shape_cast %broadcast_in_dim3A_84 : vector<16xf32> to vector<1x16xf32>
      tpu.vector_store %arg7[%swap3A_85, %swap3A_86], %swap3A_89 {strides = array<i32>} : memref<128x128xf32, #tpu.memory_space<vmem>>, vector<1x16xf32>,
      %broadcast_in_dim3A_90 = arith.constant 0.000000e+00 : f32
      %broadcast_in_dim3A_91 = vector.broadcast %broadcast_in_dim3A_90 : f32 to vector<16xf32>
      %swap3A_92 = arith.index_cast %add3A_49 : i32 to index
      %swap3A_93 = arith.constant 96 : index
      %swap3A_94 = tpu.vector_load %arg7[%swap3A_92, %swap3A_93] {strides = array<i32>} : memref<128x128xf32, #tpu.memory_space<vmem>>, vector<1x16xf32>,
      %swap3A_95 = vector.shape_cast %swap3A_94 : vector<1x16xf32> to vector<16xf32>
      %swap3A_96 = vector.shape_cast %broadcast_in_dim3A_91 : vector<16xf32> to vector<1x16xf32>
      tpu.vector_store %arg7[%swap3A_92, %swap3A_93], %swap3A_96 {strides = array<i32>} : memref<128x128xf32, #tpu.memory_space<vmem>>, vector<1x16xf32>,
      %broadcast_in_dim3A_97 = arith.constant 0.000000e+00 : f32
      %broadcast_in_dim3A_98 = vector.broadcast %broadcast_in_dim3A_97 : f32 to vector<16xf32>
      %swap3A_99 = arith.index_cast %add3A_49 : i32 to index
      %swap3A_100 = arith.constant 112 : index
      %swap3A_101 = tpu.vector_load %arg7[%swap3A_99, %swap3A_100] {strides = array<i32>} : memref<128x128xf32, #tpu.memory_space<vmem>>, vector<1x16xf32>,
      %swap3A_102 = vector.shape_cast %swap3A_101 : vector<1x16xf32> to vector<16xf32>
      %swap3A_103 = vector.shape_cast %broadcast_in_dim3A_98 : vector<16xf32> to vector<1x16xf32>
      tpu.vector_store %arg7[%swap3A_99, %swap3A_100], %swap3A_103 {strides = array<i32>} : memref<128x128xf32, #tpu.memory_space<vmem>>, vector<1x16xf32>,
    }
    %scan3A_6 = arith.constant 128 : i32
    %add3A_7 = arith.constant 0 : i32
    %add3A_8 = arith.addi %mul3A_2, %add3A_7 : i32
    "tpu.region"() ({
      %run_scoped3A = tpu.sem_alloc : memref<!tpu.dma_semaphore, #tpu.memory_space<semaphore_mem>>
      %dma_start3A = arith.constant 0 : i32
      %dma_start3A_45 = tpu.memref_slice %arg8[%add3A_8, %dma_start3A] : memref<10112x128xf32, #tpu.memory_space<vmem_shared>> -> memref<128x128xf32, #tpu.memory_space<vmem_shared>>
      %dma_start3A_46 = arith.constant 0 : i32
      %dma_start3A_47 = tpu.memref_slice %arg8[%add3A_8, %dma_start3A_46] : memref<10112x128xf32, #tpu.memory_space<vmem_shared>> -> memref<128x128xf32, #tpu.memory_space<vmem_shared>>
      tpu.enqueue_dma source(%arg7 : memref<128x128xf32, #tpu.memory_space<vmem>>) target(%dma_start3A_47 : memref<128x128xf32, #tpu.memory_space<vmem_shared>>) target_semaphore(%run_scoped3A : memref<!tpu.dma_semaphore, #tpu.memory_space<semaphore_mem>>)
      %dma_wait3A = arith.constant 0 : i32
      %dma_wait3A_48 = tpu.memref_slice %arg8[%add3A_8, %dma_wait3A] : memref<10112x128xf32, #tpu.memory_space<vmem_shared>> -> memref<128x128xf32, #tpu.memory_space<vmem_shared>>
      %dma_wait3A_49 = arith.constant 0 : i32
      %dma_wait3A_50 = tpu.memref_slice %arg8[%add3A_8, %dma_wait3A_49] : memref<10112x128xf32, #tpu.memory_space<vmem_shared>> -> memref<128x128xf32, #tpu.memory_space<vmem_shared>>
      tpu.wait_dma2 semaphore(%run_scoped3A : memref<!tpu.dma_semaphore, #tpu.memory_space<semaphore_mem>>) src(%arg7 : memref<128x128xf32, #tpu.memory_space<vmem>>) dst(%dma_wait3A_50 : memref<128x128xf32, #tpu.memory_space<vmem_shared>>)
      tpu.yield
    }) : () -> ()
    %add3A_9 = arith.constant 128 : i32
    %add3A_10 = arith.addi %mul3A_2, %add3A_9 : i32
    "tpu.region"() ({
      %run_scoped3A = tpu.sem_alloc : memref<!tpu.dma_semaphore, #tpu.memory_space<semaphore_mem>>
      %dma_start3A = arith.constant 0 : i32
      %dma_start3A_45 = tpu.memref_slice %arg8[%add3A_10, %dma_start3A] : memref<10112x128xf32, #tpu.memory_space<vmem_shared>> -> memref<128x128xf32, #tpu.memory_space<vmem_shared>>
      %dma_start3A_46 = arith.constant 0 : i32
      %dma_start3A_47 = tpu.memref_slice %arg8[%add3A_10, %dma_start3A_46] : memref<10112x128xf32, #tpu.memory_space<vmem_shared>> -> memref<128x128xf32, #tpu.memory_space<vmem_shared>>
      tpu.enqueue_dma source(%arg7 : memref<128x128xf32, #tpu.memory_space<vmem>>) target(%dma_start3A_47 : memref<128x128xf32, #tpu.memory_space<vmem_shared>>) target_semaphore(%run_scoped3A : memref<!tpu.dma_semaphore, #tpu.memory_space<semaphore_mem>>)
      %dma_wait3A = arith.constant 0 : i32
      %dma_wait3A_48 = tpu.memref_slice %arg8[%add3A_10, %dma_wait3A] : memref<10112x128xf32, #tpu.memory_space<vmem_shared>> -> memref<128x128xf32, #tpu.memory_space<vmem_shared>>
      %dma_wait3A_49 = arith.constant 0 : i32
      %dma_wait3A_50 = tpu.memref_slice %arg8[%add3A_10, %dma_wait3A_49] : memref<10112x128xf32, #tpu.memory_space<vmem_shared>> -> memref<128x128xf32, #tpu.memory_space<vmem_shared>>
      tpu.wait_dma2 semaphore(%run_scoped3A : memref<!tpu.dma_semaphore, #tpu.memory_space<semaphore_mem>>) src(%arg7 : memref<128x128xf32, #tpu.memory_space<vmem>>) dst(%dma_wait3A_50 : memref<128x128xf32, #tpu.memory_space<vmem_shared>>)
      tpu.yield
    }) : () -> ()
    %add3A_11 = arith.constant 256 : i32
    %add3A_12 = arith.addi %mul3A_2, %add3A_11 : i32
    "tpu.region"() ({
      %run_scoped3A = tpu.sem_alloc : memref<!tpu.dma_semaphore, #tpu.memory_space<semaphore_mem>>
      %dma_start3A = arith.constant 0 : i32
      %dma_start3A_45 = tpu.memref_slice %arg8[%add3A_12, %dma_start3A] : memref<10112x128xf32, #tpu.memory_space<vmem_shared>> -> memref<128x128xf32, #tpu.memory_space<vmem_shared>>
      %dma_start3A_46 = arith.constant 0 : i32
      %dma_start3A_47 = tpu.memref_slice %arg8[%add3A_12, %dma_start3A_46] : memref<10112x128xf32, #tpu.memory_space<vmem_shared>> -> memref<128x128xf32, #tpu.memory_space<vmem_shared>>
      tpu.enqueue_dma source(%arg7 : memref<128x128xf32, #tpu.memory_space<vmem>>) target(%dma_start3A_47 : memref<128x128xf32, #tpu.memory_space<vmem_shared>>) target_semaphore(%run_scoped3A : memref<!tpu.dma_semaphore, #tpu.memory_space<semaphore_mem>>)
      %dma_wait3A = arith.constant 0 : i32
      %dma_wait3A_48 = tpu.memref_slice %arg8[%add3A_12, %dma_wait3A] : memref<10112x128xf32, #tpu.memory_space<vmem_shared>> -> memref<128x128xf32, #tpu.memory_space<vmem_shared>>
      %dma_wait3A_49 = arith.constant 0 : i32
      %dma_wait3A_50 = tpu.memref_slice %arg8[%add3A_12, %dma_wait3A_49] : memref<10112x128xf32, #tpu.memory_space<vmem_shared>> -> memref<128x128xf32, #tpu.memory_space<vmem_shared>>
      tpu.wait_dma2 semaphore(%run_scoped3A : memref<!tpu.dma_semaphore, #tpu.memory_space<semaphore_mem>>) src(%arg7 : memref<128x128xf32, #tpu.memory_space<vmem>>) dst(%dma_wait3A_50 : memref<128x128xf32, #tpu.memory_space<vmem_shared>>)
      tpu.yield
    }) : () -> ()
    %add3A_13 = arith.constant 384 : i32
    %add3A_14 = arith.addi %mul3A_2, %add3A_13 : i32
    "tpu.region"() ({
      %run_scoped3A = tpu.sem_alloc : memref<!tpu.dma_semaphore, #tpu.memory_space<semaphore_mem>>
      %dma_start3A = arith.constant 0 : i32
      %dma_start3A_45 = tpu.memref_slice %arg8[%add3A_14, %dma_start3A] : memref<10112x128xf32, #tpu.memory_space<vmem_shared>> -> memref<128x128xf32, #tpu.memory_space<vmem_shared>>
      %dma_start3A_46 = arith.constant 0 : i32
      %dma_start3A_47 = tpu.memref_slice %arg8[%add3A_14, %dma_start3A_46] : memref<10112x128xf32, #tpu.memory_space<vmem_shared>> -> memref<128x128xf32, #tpu.memory_space<vmem_shared>>
      tpu.enqueue_dma source(%arg7 : memref<128x128xf32, #tpu.memory_space<vmem>>) target(%dma_start3A_47 : memref<128x128xf32, #tpu.memory_space<vmem_shared>>) target_semaphore(%run_scoped3A : memref<!tpu.dma_semaphore, #tpu.memory_space<semaphore_mem>>)
      %dma_wait3A = arith.constant 0 : i32
      %dma_wait3A_48 = tpu.memref_slice %arg8[%add3A_14, %dma_wait3A] : memref<10112x128xf32, #tpu.memory_space<vmem_shared>> -> memref<128x128xf32, #tpu.memory_space<vmem_shared>>
      %dma_wait3A_49 = arith.constant 0 : i32
      %dma_wait3A_50 = tpu.memref_slice %arg8[%add3A_14, %dma_wait3A_49] : memref<10112x128xf32, #tpu.memory_space<vmem_shared>> -> memref<128x128xf32, #tpu.memory_space<vmem_shared>>
      tpu.wait_dma2 semaphore(%run_scoped3A : memref<!tpu.dma_semaphore, #tpu.memory_space<semaphore_mem>>) src(%arg7 : memref<128x128xf32, #tpu.memory_space<vmem>>) dst(%dma_wait3A_50 : memref<128x128xf32, #tpu.memory_space<vmem_shared>>)
      tpu.yield
    }) : () -> ()
    %add3A_15 = arith.constant 512 : i32
    %add3A_16 = arith.addi %mul3A_2, %add3A_15 : i32
    "tpu.region"() ({
      %run_scoped3A = tpu.sem_alloc : memref<!tpu.dma_semaphore, #tpu.memory_space<semaphore_mem>>
      %dma_start3A = arith.constant 0 : i32
      %dma_start3A_45 = arith.constant 0 : i32
      %dma_start3A_46 = tpu.memref_slice %arg7[%dma_start3A, %dma_start3A_45] : memref<128x128xf32, #tpu.memory_space<vmem>> -> memref<120x128xf32, #tpu.memory_space<vmem>>
      %dma_start3A_47 = arith.constant 0 : i32
      %dma_start3A_48 = tpu.memref_slice %arg8[%add3A_16, %dma_start3A_47] : memref<10112x128xf32, #tpu.memory_space<vmem_shared>> -> memref<120x128xf32, #tpu.memory_space<vmem_shared>>
      %dma_start3A_49 = arith.constant 0 : i32
      %dma_start3A_50 = tpu.memref_slice %arg8[%add3A_16, %dma_start3A_49] : memref<10112x128xf32, #tpu.memory_space<vmem_shared>> -> memref<120x128xf32, #tpu.memory_space<vmem_shared>>
      %dma_start3A_51 = arith.constant 0 : i32
      %dma_start3A_52 = arith.constant 0 : i32
      %dma_start3A_53 = tpu.memref_slice %arg7[%dma_start3A_51, %dma_start3A_52] : memref<128x128xf32, #tpu.memory_space<vmem>> -> memref<120x128xf32, #tpu.memory_space<vmem>>
      tpu.enqueue_dma source(%dma_start3A_53 : memref<120x128xf32, #tpu.memory_space<vmem>>) target(%dma_start3A_50 : memref<120x128xf32, #tpu.memory_space<vmem_shared>>) target_semaphore(%run_scoped3A : memref<!tpu.dma_semaphore, #tpu.memory_space<semaphore_mem>>)
      %dma_wait3A = arith.constant 0 : i32
      %dma_wait3A_54 = arith.constant 0 : i32
      %dma_wait3A_55 = tpu.memref_slice %arg7[%dma_wait3A, %dma_wait3A_54] : memref<128x128xf32, #tpu.memory_space<vmem>> -> memref<120x128xf32, #tpu.memory_space<vmem>>
      %dma_wait3A_56 = arith.constant 0 : i32
      %dma_wait3A_57 = tpu.memref_slice %arg8[%add3A_16, %dma_wait3A_56] : memref<10112x128xf32, #tpu.memory_space<vmem_shared>> -> memref<120x128xf32, #tpu.memory_space<vmem_shared>>
      %dma_wait3A_58 = arith.constant 0 : i32
      %dma_wait3A_59 = tpu.memref_slice %arg8[%add3A_16, %dma_wait3A_58] : memref<10112x128xf32, #tpu.memory_space<vmem_shared>> -> memref<120x128xf32, #tpu.memory_space<vmem_shared>>
      %dma_wait3A_60 = arith.constant 0 : i32
      %dma_wait3A_61 = arith.constant 0 : i32
      %dma_wait3A_62 = tpu.memref_slice %arg7[%dma_wait3A_60, %dma_wait3A_61] : memref<128x128xf32, #tpu.memory_space<vmem>> -> memref<120x128xf32, #tpu.memory_space<vmem>>
      tpu.wait_dma2 semaphore(%run_scoped3A : memref<!tpu.dma_semaphore, #tpu.memory_space<semaphore_mem>>) src(%dma_wait3A_62 : memref<120x128xf32, #tpu.memory_space<vmem>>) dst(%dma_wait3A_59 : memref<120x128xf32, #tpu.memory_space<vmem_shared>>)
      tpu.yield
    }) : () -> ()
    %eq3A = arith.constant 0 : i32
    %eq3A_17 = arith.cmpi eq, %arg0, %eq3A : i32
    %mul3A_18 = arith.constant 14336 : i32
    %mul3A_19 = arith.muli %arg1, %mul3A_18 : i32
    %mul3A_20 = arith.constant 5888 : i32
    %mul3A_21 = arith.muli %arg1, %mul3A_20 : i32
    %add3A_22 = arith.constant 229376 : i32
    %add3A_23 = arith.addi %add3A_22, %mul3A_21 : i32
    %select_n3A = arith.select %eq3A_17, %mul3A_19, %add3A_23 : i32
    "tpu.region"() ({
      %run_scoped3A = tpu.sem_alloc : memref<!tpu.dma_semaphore, #tpu.memory_space<semaphore_mem>>
      %dma_start3A = tpu.memref_slice %arg3[%select_n3A] : memref<332032xi32, #tpu.memory_space<hbm>> -> memref<14336xi32, #tpu.memory_space<hbm>>
      %dma_start3A_45 = tpu.memref_slice %arg3[%select_n3A] : memref<332032xi32, #tpu.memory_space<hbm>> -> memref<14336xi32, #tpu.memory_space<hbm>>
      tpu.enqueue_dma source(%dma_start3A_45 : memref<14336xi32, #tpu.memory_space<hbm>>) target(%arg5 : memref<14336xi32, #tpu.memory_space<vmem>>) target_semaphore(%run_scoped3A : memref<!tpu.dma_semaphore, #tpu.memory_space<semaphore_mem>>)
      %dma_wait3A = tpu.memref_slice %arg3[%select_n3A] : memref<332032xi32, #tpu.memory_space<hbm>> -> memref<14336xi32, #tpu.memory_space<hbm>>
      %dma_wait3A_46 = tpu.memref_slice %arg3[%select_n3A] : memref<332032xi32, #tpu.memory_space<hbm>> -> memref<14336xi32, #tpu.memory_space<hbm>>
      tpu.wait_dma2 semaphore(%run_scoped3A : memref<!tpu.dma_semaphore, #tpu.memory_space<semaphore_mem>>) src(%dma_wait3A_46 : memref<14336xi32, #tpu.memory_space<hbm>>) dst(%arg5 : memref<14336xi32, #tpu.memory_space<vmem>>)
      tpu.yield
    }) : () -> ()
    %barrier3A = arith.constant 0 : index
    tpu.barrier barrier_id(%barrier3A)
    %eq3A_24 = arith.constant 0 : i32
    %eq3A_25 = arith.cmpi eq, %arg0, %eq3A_24 : i32
    %jit3A = arith.constant 112 : i32
    %jit3A_26 = arith.constant 46 : i32
    %select_n3A_27 = arith.select %eq3A_25, %jit3A, %jit3A_26 : i32
    %sub3A = arith.constant 0 : i32
    %sub3A_28 = arith.subi %select_n3A_27, %sub3A : i32
    %sub3A_29 = arith.constant 1 : i32
    %sub3A_30 = arith.constant 1 : i32
    %sub3A_31 = arith.subi %sub3A_29, %sub3A_30 : i32
    %add3A_32 = arith.addi %sub3A_28, %sub3A_31 : i32
    %div3A = arith.constant 1 : i32
    %div3A_33 = arith.divsi %add3A_32, %div3A : i32
    %while3A = arith.constant 1 : i32
    %while3A_34 = arith.constant 0 : i32
    %while3A_35 = arith.constant 0 : i32
    %while3A_36 = arith.subi %div3A_33, %while3A_35 : i32
    %while3A_37 = arith.addi %while3A_35, %while3A_36 : i32
    %while3A_38 = arith.constant 1 : i32
    %while3A_39 = arith.divsi %while3A_36, %while3A_38 : i32
    %while3A_40 = arith.muli %while3A_39, %while3A_38 : i32
    %while3A_41 = arith.addi %while3A_35, %while3A_40 : i32
    %while3A_42 = arith.constant 1 : i32
    scf.for %while3A_45 = %while3A_35 to %while3A_41 step %while3A_42  : i32 {
      %mul3A_46 = arith.muli %while3A_45, %while3A : i32
      %add3A_47 = arith.addi %while3A_34, %mul3A_46 : i32
      %mul3A_48 = arith.constant 128 : i32
      %mul3A_49 = arith.muli %add3A_47, %mul3A_48 : i32
      %add3A_50 = arith.constant 0 : i32
      %add3A_51 = arith.addi %mul3A_49, %add3A_50 : i32
      %get3A = arith.index_cast %add3A_51 : i32 to index
      %get3A_52 = tpu.vector_load %arg5[%get3A] {strides = array<i32>} : memref<14336xi32, #tpu.memory_space<vmem>>, vector<16xi32>,
      %get3A_53 = vector.shape_cast %get3A_52 : vector<16xi32> to vector<16xi32>
      %and3A = arith.constant 65535 : i32
      %and3A_54 = vector.broadcast %and3A : i32 to vector<16xi32>
      %and3A_55 = arith.andi %get3A_53, %and3A_54 : vector<16xi32>
      %swap3A = arith.constant 0 : i32
      %swap3A_56 = arith.index_cast %swap3A : i32 to index
      %swap3A_57 = arith.constant 0 : index
      %swap3A_58 = tpu.vector_load %arg6[%swap3A_56, %swap3A_57] {strides = array<i32>} : memref<2x128xi32, #tpu.memory_space<vmem>>, vector<1x16xi32>,
      %swap3A_59 = vector.shape_cast %swap3A_58 : vector<1x16xi32> to vector<16xi32>
      %swap3A_60 = vector.shape_cast %and3A_55 : vector<16xi32> to vector<1x16xi32>
      tpu.vector_store %arg6[%swap3A_56, %swap3A_57], %swap3A_60 {strides = array<i32>} : memref<2x128xi32, #tpu.memory_space<vmem>>, vector<1x16xi32>,
      %shift_right_logical3A = arith.constant 16 : i32
      %shift_right_logical3A_61 = vector.broadcast %shift_right_logical3A : i32 to vector<16xi32>
      %shift_right_logical3A_62 = arith.shrui %get3A_53, %shift_right_logical3A_61 : vector<16xi32>
      %swap3A_63 = arith.constant 1 : i32
      %swap3A_64 = arith.index_cast %swap3A_63 : i32 to index
      %swap3A_65 = arith.constant 0 : index
      %swap3A_66 = tpu.vector_load %arg6[%swap3A_64, %swap3A_65] {strides = array<i32>} : memref<2x128xi32, #tpu.memory_space<vmem>>, vector<1x16xi32>,
      %swap3A_67 = vector.shape_cast %swap3A_66 : vector<1x16xi32> to vector<16xi32>
      %swap3A_68 = vector.shape_cast %shift_right_logical3A_62 : vector<16xi32> to vector<1x16xi32>
      tpu.vector_store %arg6[%swap3A_64, %swap3A_65], %swap3A_68 {strides = array<i32>} : memref<2x128xi32, #tpu.memory_space<vmem>>, vector<1x16xi32>,
      %mul3A_69 = arith.constant 128 : i32
      %mul3A_70 = arith.muli %add3A_47, %mul3A_69 : i32
      %add3A_71 = arith.constant 16 : i32
      %add3A_72 = arith.addi %mul3A_70, %add3A_71 : i32
      %get3A_73 = arith.index_cast %add3A_72 : i32 to index
      %get3A_74 = tpu.vector_load %arg5[%get3A_73] {strides = array<i32>} : memref<14336xi32, #tpu.memory_space<vmem>>, vector<16xi32>,
      %get3A_75 = vector.shape_cast %get3A_74 : vector<16xi32> to vector<16xi32>
      %and3A_76 = arith.constant 65535 : i32
      %and3A_77 = vector.broadcast %and3A_76 : i32 to vector<16xi32>
      %and3A_78 = arith.andi %get3A_75, %and3A_77 : vector<16xi32>
      %swap3A_79 = arith.constant 0 : i32
      %swap3A_80 = arith.index_cast %swap3A_79 : i32 to index
      %swap3A_81 = arith.constant 16 : index
      %swap3A_82 = tpu.vector_load %arg6[%swap3A_80, %swap3A_81] {strides = array<i32>} : memref<2x128xi32, #tpu.memory_space<vmem>>, vector<1x16xi32>,
      %swap3A_83 = vector.shape_cast %swap3A_82 : vector<1x16xi32> to vector<16xi32>
      %swap3A_84 = vector.shape_cast %and3A_78 : vector<16xi32> to vector<1x16xi32>
      tpu.vector_store %arg6[%swap3A_80, %swap3A_81], %swap3A_84 {strides = array<i32>} : memref<2x128xi32, #tpu.memory_space<vmem>>, vector<1x16xi32>,
      %shift_right_logical3A_85 = arith.constant 16 : i32
      %shift_right_logical3A_86 = vector.broadcast %shift_right_logical3A_85 : i32 to vector<16xi32>
      %shift_right_logical3A_87 = arith.shrui %get3A_75, %shift_right_logical3A_86 : vector<16xi32>
      %swap3A_88 = arith.constant 1 : i32
      %swap3A_89 = arith.index_cast %swap3A_88 : i32 to index
      %swap3A_90 = arith.constant 16 : index
      %swap3A_91 = tpu.vector_load %arg6[%swap3A_89, %swap3A_90] {strides = array<i32>} : memref<2x128xi32, #tpu.memory_space<vmem>>, vector<1x16xi32>,
      %swap3A_92 = vector.shape_cast %swap3A_91 : vector<1x16xi32> to vector<16xi32>
      %swap3A_93 = vector.shape_cast %shift_right_logical3A_87 : vector<16xi32> to vector<1x16xi32>
      tpu.vector_store %arg6[%swap3A_89, %swap3A_90], %swap3A_93 {strides = array<i32>} : memref<2x128xi32, #tpu.memory_space<vmem>>, vector<1x16xi32>,
      %mul3A_94 = arith.constant 128 : i32
      %mul3A_95 = arith.muli %add3A_47, %mul3A_94 : i32
      %add3A_96 = arith.constant 32 : i32
      %add3A_97 = arith.addi %mul3A_95, %add3A_96 : i32
      %get3A_98 = arith.index_cast %add3A_97 : i32 to index
      %get3A_99 = tpu.vector_load %arg5[%get3A_98] {strides = array<i32>} : memref<14336xi32, #tpu.memory_space<vmem>>, vector<16xi32>,
      %get3A_100 = vector.shape_cast %get3A_99 : vector<16xi32> to vector<16xi32>
      %and3A_101 = arith.constant 65535 : i32
      %and3A_102 = vector.broadcast %and3A_101 : i32 to vector<16xi32>
      %and3A_103 = arith.andi %get3A_100, %and3A_102 : vector<16xi32>
      %swap3A_104 = arith.constant 0 : i32
      %swap3A_105 = arith.index_cast %swap3A_104 : i32 to index
      %swap3A_106 = arith.constant 32 : index
      %swap3A_107 = tpu.vector_load %arg6[%swap3A_105, %swap3A_106] {strides = array<i32>} : memref<2x128xi32, #tpu.memory_space<vmem>>, vector<1x16xi32>,
      %swap3A_108 = vector.shape_cast %swap3A_107 : vector<1x16xi32> to vector<16xi32>
      %swap3A_109 = vector.shape_cast %and3A_103 : vector<16xi32> to vector<1x16xi32>
      tpu.vector_store %arg6[%swap3A_105, %swap3A_106], %swap3A_109 {strides = array<i32>} : memref<2x128xi32, #tpu.memory_space<vmem>>, vector<1x16xi32>,
      %shift_right_logical3A_110 = arith.constant 16 : i32
      %shift_right_logical3A_111 = vector.broadcast %shift_right_logical3A_110 : i32 to vector<16xi32>
      %shift_right_logical3A_112 = arith.shrui %get3A_100, %shift_right_logical3A_111 : vector<16xi32>
      %swap3A_113 = arith.constant 1 : i32
      %swap3A_114 = arith.index_cast %swap3A_113 : i32 to index
      %swap3A_115 = arith.constant 32 : index
      %swap3A_116 = tpu.vector_load %arg6[%swap3A_114, %swap3A_115] {strides = array<i32>} : memref<2x128xi32, #tpu.memory_space<vmem>>, vector<1x16xi32>,
      %swap3A_117 = vector.shape_cast %swap3A_116 : vector<1x16xi32> to vector<16xi32>
      %swap3A_118 = vector.shape_cast %shift_right_logical3A_112 : vector<16xi32> to vector<1x16xi32>
      tpu.vector_store %arg6[%swap3A_114, %swap3A_115], %swap3A_118 {strides = array<i32>} : memref<2x128xi32, #tpu.memory_space<vmem>>, vector<1x16xi32>,
      %mul3A_119 = arith.constant 128 : i32
      %mul3A_120 = arith.muli %add3A_47, %mul3A_119 : i32
      %add3A_121 = arith.constant 48 : i32
      %add3A_122 = arith.addi %mul3A_120, %add3A_121 : i32
      %get3A_123 = arith.index_cast %add3A_122 : i32 to index
      %get3A_124 = tpu.vector_load %arg5[%get3A_123] {strides = array<i32>} : memref<14336xi32, #tpu.memory_space<vmem>>, vector<16xi32>,
      %get3A_125 = vector.shape_cast %get3A_124 : vector<16xi32> to vector<16xi32>
      %and3A_126 = arith.constant 65535 : i32
      %and3A_127 = vector.broadcast %and3A_126 : i32 to vector<16xi32>
      %and3A_128 = arith.andi %get3A_125, %and3A_127 : vector<16xi32>
      %swap3A_129 = arith.constant 0 : i32
      %swap3A_130 = arith.index_cast %swap3A_129 : i32 to index
      %swap3A_131 = arith.constant 48 : index
      %swap3A_132 = tpu.vector_load %arg6[%swap3A_130, %swap3A_131] {strides = array<i32>} : memref<2x128xi32, #tpu.memory_space<vmem>>, vector<1x16xi32>,
      %swap3A_133 = vector.shape_cast %swap3A_132 : vector<1x16xi32> to vector<16xi32>
      %swap3A_134 = vector.shape_cast %and3A_128 : vector<16xi32> to vector<1x16xi32>
      tpu.vector_store %arg6[%swap3A_130, %swap3A_131], %swap3A_134 {strides = array<i32>} : memref<2x128xi32, #tpu.memory_space<vmem>>, vector<1x16xi32>,
      %shift_right_logical3A_135 = arith.constant 16 : i32
      %shift_right_logical3A_136 = vector.broadcast %shift_right_logical3A_135 : i32 to vector<16xi32>
      %shift_right_logical3A_137 = arith.shrui %get3A_125, %shift_right_logical3A_136 : vector<16xi32>
      %swap3A_138 = arith.constant 1 : i32
      %swap3A_139 = arith.index_cast %swap3A_138 : i32 to index
      %swap3A_140 = arith.constant 48 : index
      %swap3A_141 = tpu.vector_load %arg6[%swap3A_139, %swap3A_140] {strides = array<i32>} : memref<2x128xi32, #tpu.memory_space<vmem>>, vector<1x16xi32>,
      %swap3A_142 = vector.shape_cast %swap3A_141 : vector<1x16xi32> to vector<16xi32>
      %swap3A_143 = vector.shape_cast %shift_right_logical3A_137 : vector<16xi32> to vector<1x16xi32>
      tpu.vector_store %arg6[%swap3A_139, %swap3A_140], %swap3A_143 {strides = array<i32>} : memref<2x128xi32, #tpu.memory_space<vmem>>, vector<1x16xi32>,
      %mul3A_144 = arith.constant 128 : i32
      %mul3A_145 = arith.muli %add3A_47, %mul3A_144 : i32
      %add3A_146 = arith.constant 64 : i32
      %add3A_147 = arith.addi %mul3A_145, %add3A_146 : i32
      %get3A_148 = arith.index_cast %add3A_147 : i32 to index
      %get3A_149 = tpu.vector_load %arg5[%get3A_148] {strides = array<i32>} : memref<14336xi32, #tpu.memory_space<vmem>>, vector<16xi32>,
      %get3A_150 = vector.shape_cast %get3A_149 : vector<16xi32> to vector<16xi32>
      %and3A_151 = arith.constant 65535 : i32
      %and3A_152 = vector.broadcast %and3A_151 : i32 to vector<16xi32>
      %and3A_153 = arith.andi %get3A_150, %and3A_152 : vector<16xi32>
      %swap3A_154 = arith.constant 0 : i32
      %swap3A_155 = arith.index_cast %swap3A_154 : i32 to index
      %swap3A_156 = arith.constant 64 : index
      %swap3A_157 = tpu.vector_load %arg6[%swap3A_155, %swap3A_156] {strides = array<i32>} : memref<2x128xi32, #tpu.memory_space<vmem>>, vector<1x16xi32>,
      %swap3A_158 = vector.shape_cast %swap3A_157 : vector<1x16xi32> to vector<16xi32>
      %swap3A_159 = vector.shape_cast %and3A_153 : vector<16xi32> to vector<1x16xi32>
      tpu.vector_store %arg6[%swap3A_155, %swap3A_156], %swap3A_159 {strides = array<i32>} : memref<2x128xi32, #tpu.memory_space<vmem>>, vector<1x16xi32>,
      %shift_right_logical3A_160 = arith.constant 16 : i32
      %shift_right_logical3A_161 = vector.broadcast %shift_right_logical3A_160 : i32 to vector<16xi32>
      %shift_right_logical3A_162 = arith.shrui %get3A_150, %shift_right_logical3A_161 : vector<16xi32>
      %swap3A_163 = arith.constant 1 : i32
      %swap3A_164 = arith.index_cast %swap3A_163 : i32 to index
      %swap3A_165 = arith.constant 64 : index
      %swap3A_166 = tpu.vector_load %arg6[%swap3A_164, %swap3A_165] {strides = array<i32>} : memref<2x128xi32, #tpu.memory_space<vmem>>, vector<1x16xi32>,
      %swap3A_167 = vector.shape_cast %swap3A_166 : vector<1x16xi32> to vector<16xi32>
      %swap3A_168 = vector.shape_cast %shift_right_logical3A_162 : vector<16xi32> to vector<1x16xi32>
      tpu.vector_store %arg6[%swap3A_164, %swap3A_165], %swap3A_168 {strides = array<i32>} : memref<2x128xi32, #tpu.memory_space<vmem>>, vector<1x16xi32>,
      %mul3A_169 = arith.constant 128 : i32
      %mul3A_170 = arith.muli %add3A_47, %mul3A_169 : i32
      %add3A_171 = arith.constant 80 : i32
      %add3A_172 = arith.addi %mul3A_170, %add3A_171 : i32
      %get3A_173 = arith.index_cast %add3A_172 : i32 to index
      %get3A_174 = tpu.vector_load %arg5[%get3A_173] {strides = array<i32>} : memref<14336xi32, #tpu.memory_space<vmem>>, vector<16xi32>,
      %get3A_175 = vector.shape_cast %get3A_174 : vector<16xi32> to vector<16xi32>
      %and3A_176 = arith.constant 65535 : i32
      %and3A_177 = vector.broadcast %and3A_176 : i32 to vector<16xi32>
      %and3A_178 = arith.andi %get3A_175, %and3A_177 : vector<16xi32>
      %swap3A_179 = arith.constant 0 : i32
      %swap3A_180 = arith.index_cast %swap3A_179 : i32 to index
      %swap3A_181 = arith.constant 80 : index
      %swap3A_182 = tpu.vector_load %arg6[%swap3A_180, %swap3A_181] {strides = array<i32>} : memref<2x128xi32, #tpu.memory_space<vmem>>, vector<1x16xi32>,
      %swap3A_183 = vector.shape_cast %swap3A_182 : vector<1x16xi32> to vector<16xi32>
      %swap3A_184 = vector.shape_cast %and3A_178 : vector<16xi32> to vector<1x16xi32>
      tpu.vector_store %arg6[%swap3A_180, %swap3A_181], %swap3A_184 {strides = array<i32>} : memref<2x128xi32, #tpu.memory_space<vmem>>, vector<1x16xi32>,
      %shift_right_logical3A_185 = arith.constant 16 : i32
      %shift_right_logical3A_186 = vector.broadcast %shift_right_logical3A_185 : i32 to vector<16xi32>
      %shift_right_logical3A_187 = arith.shrui %get3A_175, %shift_right_logical3A_186 : vector<16xi32>
      %swap3A_188 = arith.constant 1 : i32
      %swap3A_189 = arith.index_cast %swap3A_188 : i32 to index
      %swap3A_190 = arith.constant 80 : index
      %swap3A_191 = tpu.vector_load %arg6[%swap3A_189, %swap3A_190] {strides = array<i32>} : memref<2x128xi32, #tpu.memory_space<vmem>>, vector<1x16xi32>,
      %swap3A_192 = vector.shape_cast %swap3A_191 : vector<1x16xi32> to vector<16xi32>
      %swap3A_193 = vector.shape_cast %shift_right_logical3A_187 : vector<16xi32> to vector<1x16xi32>
      tpu.vector_store %arg6[%swap3A_189, %swap3A_190], %swap3A_193 {strides = array<i32>} : memref<2x128xi32, #tpu.memory_space<vmem>>, vector<1x16xi32>,
      %mul3A_194 = arith.constant 128 : i32
      %mul3A_195 = arith.muli %add3A_47, %mul3A_194 : i32
      %add3A_196 = arith.constant 96 : i32
      %add3A_197 = arith.addi %mul3A_195, %add3A_196 : i32
      %get3A_198 = arith.index_cast %add3A_197 : i32 to index
      %get3A_199 = tpu.vector_load %arg5[%get3A_198] {strides = array<i32>} : memref<14336xi32, #tpu.memory_space<vmem>>, vector<16xi32>,
      %get3A_200 = vector.shape_cast %get3A_199 : vector<16xi32> to vector<16xi32>
      %and3A_201 = arith.constant 65535 : i32
      %and3A_202 = vector.broadcast %and3A_201 : i32 to vector<16xi32>
      %and3A_203 = arith.andi %get3A_200, %and3A_202 : vector<16xi32>
      %swap3A_204 = arith.constant 0 : i32
      %swap3A_205 = arith.index_cast %swap3A_204 : i32 to index
      %swap3A_206 = arith.constant 96 : index
      %swap3A_207 = tpu.vector_load %arg6[%swap3A_205, %swap3A_206] {strides = array<i32>} : memref<2x128xi32, #tpu.memory_space<vmem>>, vector<1x16xi32>,
      %swap3A_208 = vector.shape_cast %swap3A_207 : vector<1x16xi32> to vector<16xi32>
      %swap3A_209 = vector.shape_cast %and3A_203 : vector<16xi32> to vector<1x16xi32>
      tpu.vector_store %arg6[%swap3A_205, %swap3A_206], %swap3A_209 {strides = array<i32>} : memref<2x128xi32, #tpu.memory_space<vmem>>, vector<1x16xi32>,
      %shift_right_logical3A_210 = arith.constant 16 : i32
      %shift_right_logical3A_211 = vector.broadcast %shift_right_logical3A_210 : i32 to vector<16xi32>
      %shift_right_logical3A_212 = arith.shrui %get3A_200, %shift_right_logical3A_211 : vector<16xi32>
      %swap3A_213 = arith.constant 1 : i32
      %swap3A_214 = arith.index_cast %swap3A_213 : i32 to index
      %swap3A_215 = arith.constant 96 : index
      %swap3A_216 = tpu.vector_load %arg6[%swap3A_214, %swap3A_215] {strides = array<i32>} : memref<2x128xi32, #tpu.memory_space<vmem>>, vector<1x16xi32>,
      %swap3A_217 = vector.shape_cast %swap3A_216 : vector<1x16xi32> to vector<16xi32>
      %swap3A_218 = vector.shape_cast %shift_right_logical3A_212 : vector<16xi32> to vector<1x16xi32>
      tpu.vector_store %arg6[%swap3A_214, %swap3A_215], %swap3A_218 {strides = array<i32>} : memref<2x128xi32, #tpu.memory_space<vmem>>, vector<1x16xi32>,
      %mul3A_219 = arith.constant 128 : i32
      %mul3A_220 = arith.muli %add3A_47, %mul3A_219 : i32
      %add3A_221 = arith.constant 112 : i32
      %add3A_222 = arith.addi %mul3A_220, %add3A_221 : i32
      %get3A_223 = arith.index_cast %add3A_222 : i32 to index
      %get3A_224 = tpu.vector_load %arg5[%get3A_223] {strides = array<i32>} : memref<14336xi32, #tpu.memory_space<vmem>>, vector<16xi32>,
      %get3A_225 = vector.shape_cast %get3A_224 : vector<16xi32> to vector<16xi32>
      %and3A_226 = arith.constant 65535 : i32
      %and3A_227 = vector.broadcast %and3A_226 : i32 to vector<16xi32>
      %and3A_228 = arith.andi %get3A_225, %and3A_227 : vector<16xi32>
      %swap3A_229 = arith.constant 0 : i32
      %swap3A_230 = arith.index_cast %swap3A_229 : i32 to index
      %swap3A_231 = arith.constant 112 : index
      %swap3A_232 = tpu.vector_load %arg6[%swap3A_230, %swap3A_231] {strides = array<i32>} : memref<2x128xi32, #tpu.memory_space<vmem>>, vector<1x16xi32>,
      %swap3A_233 = vector.shape_cast %swap3A_232 : vector<1x16xi32> to vector<16xi32>
      %swap3A_234 = vector.shape_cast %and3A_228 : vector<16xi32> to vector<1x16xi32>
      tpu.vector_store %arg6[%swap3A_230, %swap3A_231], %swap3A_234 {strides = array<i32>} : memref<2x128xi32, #tpu.memory_space<vmem>>, vector<1x16xi32>,
      %shift_right_logical3A_235 = arith.constant 16 : i32
      %shift_right_logical3A_236 = vector.broadcast %shift_right_logical3A_235 : i32 to vector<16xi32>
      %shift_right_logical3A_237 = arith.shrui %get3A_225, %shift_right_logical3A_236 : vector<16xi32>
      %swap3A_238 = arith.constant 1 : i32
      %swap3A_239 = arith.index_cast %swap3A_238 : i32 to index
      %swap3A_240 = arith.constant 112 : index
      %swap3A_241 = tpu.vector_load %arg6[%swap3A_239, %swap3A_240] {strides = array<i32>} : memref<2x128xi32, #tpu.memory_space<vmem>>, vector<1x16xi32>,
      %swap3A_242 = vector.shape_cast %swap3A_241 : vector<1x16xi32> to vector<16xi32>
      %swap3A_243 = vector.shape_cast %shift_right_logical3A_237 : vector<16xi32> to vector<1x16xi32>
      tpu.vector_store %arg6[%swap3A_239, %swap3A_240], %swap3A_243 {strides = array<i32>} : memref<2x128xi32, #tpu.memory_space<vmem>>, vector<1x16xi32>,
      %run_scoped3A = arith.constant 0 : i32
      "tpu.region"() ({
        %run_scoped3A_245 = tpu.sem_alloc : memref<!tpu.dma_semaphore, #tpu.memory_space<semaphore_mem>>
        %dma_start3A = arith.constant 0 : i32
        %dma_start3A_246 = tpu.memref_slice %arg6[%run_scoped3A, %dma_start3A] : memref<2x128xi32, #tpu.memory_space<vmem>> -> memref<1x128xi32, #tpu.memory_space<vmem>>
        %dma_start3A_247 = tpu.memref_squeeze %dma_start3A_246 : memref<1x128xi32, #tpu.memory_space<vmem>> -> memref<128xi32, #tpu.memory_space<vmem>>
        %dma_start3A_248 = arith.constant 0 : i32
        %dma_start3A_249 = arith.constant 0 : i32
        %dma_start3A_250 = tpu.memref_slice %arg2[%dma_start3A_248, %dma_start3A_249] : memref<10000x128xf32, #tpu.memory_space<hbm>> -> memref<10000x128xf32, #tpu.memory_space<hbm>>
        tpu.enqueue_indirect_dma source(%dma_start3A_250 : memref<10000x128xf32, #tpu.memory_space<hbm>>) target(%arg7 : memref<128x128xf32, #tpu.memory_space<vmem>>) offsets(%dma_start3A_247 : memref<128xi32, #tpu.memory_space<vmem>>) semaphore(%run_scoped3A_245 : memref<!tpu.dma_semaphore, #tpu.memory_space<semaphore_mem>>)
        %dma_wait3A = arith.constant 0 : i32
        %dma_wait3A_251 = tpu.memref_slice %arg6[%run_scoped3A, %dma_wait3A] : memref<2x128xi32, #tpu.memory_space<vmem>> -> memref<1x128xi32, #tpu.memory_space<vmem>>
        %dma_wait3A_252 = tpu.memref_squeeze %dma_wait3A_251 : memref<1x128xi32, #tpu.memory_space<vmem>> -> memref<128xi32, #tpu.memory_space<vmem>>
        %dma_wait3A_253 = arith.constant 0 : i32
        %dma_wait3A_254 = arith.constant 0 : i32
        %dma_wait3A_255 = tpu.memref_slice %arg2[%dma_wait3A_253, %dma_wait3A_254] : memref<10000x128xf32, #tpu.memory_space<hbm>> -> memref<10000x128xf32, #tpu.memory_space<hbm>>
        tpu.wait_indirect_dma semaphore(%run_scoped3A_245 : memref<!tpu.dma_semaphore, #tpu.memory_space<semaphore_mem>>) src(%dma_wait3A_255 : memref<10000x128xf32, #tpu.memory_space<hbm>>) dst(%arg7 : memref<128x128xf32, #tpu.memory_space<vmem>>)
        tpu.yield
      }) : () -> ()
      %run_scoped3A_244 = arith.constant 1 : i32
      "tpu.region"() ({
        %run_scoped3A_245 = tpu.sem_alloc : memref<!tpu.dma_semaphore, #tpu.memory_space<semaphore_mem>>
        %dma_start3A = arith.constant 0 : i32
        %dma_start3A_246 = tpu.memref_slice %arg6[%run_scoped3A_244, %dma_start3A] : memref<2x128xi32, #tpu.memory_space<vmem>> -> memref<1x128xi32, #tpu.memory_space<vmem>>
        %dma_start3A_247 = tpu.memref_squeeze %dma_start3A_246 : memref<1x128xi32, #tpu.memory_space<vmem>> -> memref<128xi32, #tpu.memory_space<vmem>>
        %dma_start3A_248 = arith.constant 0 : i32
        %dma_start3A_249 = arith.constant 0 : i32
        %dma_start3A_250 = tpu.memref_slice %arg8[%dma_start3A_248, %dma_start3A_249] : memref<10112x128xf32, #tpu.memory_space<vmem_shared>> -> memref<10112x128xf32, #tpu.memory_space<vmem_shared>>
        tpu.enqueue_indirect_dma source(%arg7 : memref<128x128xf32, #tpu.memory_space<vmem>>) target(%dma_start3A_250 : memref<10112x128xf32, #tpu.memory_space<vmem_shared>>) offsets(%dma_start3A_247 : memref<128xi32, #tpu.memory_space<vmem>>) semaphore(%run_scoped3A_245 : memref<!tpu.dma_semaphore, #tpu.memory_space<semaphore_mem>>) {add = true}
        %dma_wait3A = arith.constant 0 : i32
        %dma_wait3A_251 = tpu.memref_slice %arg6[%run_scoped3A_244, %dma_wait3A] : memref<2x128xi32, #tpu.memory_space<vmem>> -> memref<1x128xi32, #tpu.memory_space<vmem>>
        %dma_wait3A_252 = tpu.memref_squeeze %dma_wait3A_251 : memref<1x128xi32, #tpu.memory_space<vmem>> -> memref<128xi32, #tpu.memory_space<vmem>>
        %dma_wait3A_253 = arith.constant 0 : i32
        %dma_wait3A_254 = arith.constant 0 : i32
        %dma_wait3A_255 = tpu.memref_slice %arg8[%dma_wait3A_253, %dma_wait3A_254] : memref<10112x128xf32, #tpu.memory_space<vmem_shared>> -> memref<10112x128xf32, #tpu.memory_space<vmem_shared>>
        tpu.wait_indirect_dma semaphore(%run_scoped3A_245 : memref<!tpu.dma_semaphore, #tpu.memory_space<semaphore_mem>>) src(%arg7 : memref<128x128xf32, #tpu.memory_space<vmem>>) dst(%dma_wait3A_255 : memref<10112x128xf32, #tpu.memory_space<vmem_shared>>)
        tpu.yield
      }) : () -> ()
    }
    %while3A_43 = arith.constant 1 : i32
    scf.for %while3A_45 = %while3A_41 to %while3A_37 step %while3A_43  : i32 {
      %mul3A_46 = arith.muli %while3A_45, %while3A : i32
      %add3A_47 = arith.addi %while3A_34, %mul3A_46 : i32
      %mul3A_48 = arith.constant 128 : i32
      %mul3A_49 = arith.muli %add3A_47, %mul3A_48 : i32
      %add3A_50 = arith.constant 0 : i32
      %add3A_51 = arith.addi %mul3A_49, %add3A_50 : i32
      %get3A = arith.index_cast %add3A_51 : i32 to index
      %get3A_52 = tpu.vector_load %arg5[%get3A] {strides = array<i32>} : memref<14336xi32, #tpu.memory_space<vmem>>, vector<16xi32>,
      %get3A_53 = vector.shape_cast %get3A_52 : vector<16xi32> to vector<16xi32>
      %and3A = arith.constant 65535 : i32
      %and3A_54 = vector.broadcast %and3A : i32 to vector<16xi32>
      %and3A_55 = arith.andi %get3A_53, %and3A_54 : vector<16xi32>
      %swap3A = arith.constant 0 : i32
      %swap3A_56 = arith.index_cast %swap3A : i32 to index
      %swap3A_57 = arith.constant 0 : index
      %swap3A_58 = tpu.vector_load %arg6[%swap3A_56, %swap3A_57] {strides = array<i32>} : memref<2x128xi32, #tpu.memory_space<vmem>>, vector<1x16xi32>,
      %swap3A_59 = vector.shape_cast %swap3A_58 : vector<1x16xi32> to vector<16xi32>
      %swap3A_60 = vector.shape_cast %and3A_55 : vector<16xi32> to vector<1x16xi32>
      tpu.vector_store %arg6[%swap3A_56, %swap3A_57], %swap3A_60 {strides = array<i32>} : memref<2x128xi32, #tpu.memory_space<vmem>>, vector<1x16xi32>,
      %shift_right_logical3A = arith.constant 16 : i32
      %shift_right_logical3A_61 = vector.broadcast %shift_right_logical3A : i32 to vector<16xi32>
      %shift_right_logical3A_62 = arith.shrui %get3A_53, %shift_right_logical3A_61 : vector<16xi32>
      %swap3A_63 = arith.constant 1 : i32
      %swap3A_64 = arith.index_cast %swap3A_63 : i32 to index
      %swap3A_65 = arith.constant 0 : index
      %swap3A_66 = tpu.vector_load %arg6[%swap3A_64, %swap3A_65] {strides = array<i32>} : memref<2x128xi32, #tpu.memory_space<vmem>>, vector<1x16xi32>,
      %swap3A_67 = vector.shape_cast %swap3A_66 : vector<1x16xi32> to vector<16xi32>
      %swap3A_68 = vector.shape_cast %shift_right_logical3A_62 : vector<16xi32> to vector<1x16xi32>
      tpu.vector_store %arg6[%swap3A_64, %swap3A_65], %swap3A_68 {strides = array<i32>} : memref<2x128xi32, #tpu.memory_space<vmem>>, vector<1x16xi32>,
      %mul3A_69 = arith.constant 128 : i32
      %mul3A_70 = arith.muli %add3A_47, %mul3A_69 : i32
      %add3A_71 = arith.constant 16 : i32
      %add3A_72 = arith.addi %mul3A_70, %add3A_71 : i32
      %get3A_73 = arith.index_cast %add3A_72 : i32 to index
      %get3A_74 = tpu.vector_load %arg5[%get3A_73] {strides = array<i32>} : memref<14336xi32, #tpu.memory_space<vmem>>, vector<16xi32>,
      %get3A_75 = vector.shape_cast %get3A_74 : vector<16xi32> to vector<16xi32>
      %and3A_76 = arith.constant 65535 : i32
      %and3A_77 = vector.broadcast %and3A_76 : i32 to vector<16xi32>
      %and3A_78 = arith.andi %get3A_75, %and3A_77 : vector<16xi32>
      %swap3A_79 = arith.constant 0 : i32
      %swap3A_80 = arith.index_cast %swap3A_79 : i32 to index
      %swap3A_81 = arith.constant 16 : index
      %swap3A_82 = tpu.vector_load %arg6[%swap3A_80, %swap3A_81] {strides = array<i32>} : memref<2x128xi32, #tpu.memory_space<vmem>>, vector<1x16xi32>,
      %swap3A_83 = vector.shape_cast %swap3A_82 : vector<1x16xi32> to vector<16xi32>
      %swap3A_84 = vector.shape_cast %and3A_78 : vector<16xi32> to vector<1x16xi32>
      tpu.vector_store %arg6[%swap3A_80, %swap3A_81], %swap3A_84 {strides = array<i32>} : memref<2x128xi32, #tpu.memory_space<vmem>>, vector<1x16xi32>,
      %shift_right_logical3A_85 = arith.constant 16 : i32
      %shift_right_logical3A_86 = vector.broadcast %shift_right_logical3A_85 : i32 to vector<16xi32>
      %shift_right_logical3A_87 = arith.shrui %get3A_75, %shift_right_logical3A_86 : vector<16xi32>
      %swap3A_88 = arith.constant 1 : i32
      %swap3A_89 = arith.index_cast %swap3A_88 : i32 to index
      %swap3A_90 = arith.constant 16 : index
      %swap3A_91 = tpu.vector_load %arg6[%swap3A_89, %swap3A_90] {strides = array<i32>} : memref<2x128xi32, #tpu.memory_space<vmem>>, vector<1x16xi32>,
      %swap3A_92 = vector.shape_cast %swap3A_91 : vector<1x16xi32> to vector<16xi32>
      %swap3A_93 = vector.shape_cast %shift_right_logical3A_87 : vector<16xi32> to vector<1x16xi32>
      tpu.vector_store %arg6[%swap3A_89, %swap3A_90], %swap3A_93 {strides = array<i32>} : memref<2x128xi32, #tpu.memory_space<vmem>>, vector<1x16xi32>,
      %mul3A_94 = arith.constant 128 : i32
      %mul3A_95 = arith.muli %add3A_47, %mul3A_94 : i32
      %add3A_96 = arith.constant 32 : i32
      %add3A_97 = arith.addi %mul3A_95, %add3A_96 : i32
      %get3A_98 = arith.index_cast %add3A_97 : i32 to index
      %get3A_99 = tpu.vector_load %arg5[%get3A_98] {strides = array<i32>} : memref<14336xi32, #tpu.memory_space<vmem>>, vector<16xi32>,
      %get3A_100 = vector.shape_cast %get3A_99 : vector<16xi32> to vector<16xi32>
      %and3A_101 = arith.constant 65535 : i32
      %and3A_102 = vector.broadcast %and3A_101 : i32 to vector<16xi32>
      %and3A_103 = arith.andi %get3A_100, %and3A_102 : vector<16xi32>
      %swap3A_104 = arith.constant 0 : i32
      %swap3A_105 = arith.index_cast %swap3A_104 : i32 to index
      %swap3A_106 = arith.constant 32 : index
      %swap3A_107 = tpu.vector_load %arg6[%swap3A_105, %swap3A_106] {strides = array<i32>} : memref<2x128xi32, #tpu.memory_space<vmem>>, vector<1x16xi32>,
      %swap3A_108 = vector.shape_cast %swap3A_107 : vector<1x16xi32> to vector<16xi32>
      %swap3A_109 = vector.shape_cast %and3A_103 : vector<16xi32> to vector<1x16xi32>
      tpu.vector_store %arg6[%swap3A_105, %swap3A_106], %swap3A_109 {strides = array<i32>} : memref<2x128xi32, #tpu.memory_space<vmem>>, vector<1x16xi32>,
      %shift_right_logical3A_110 = arith.constant 16 : i32
      %shift_right_logical3A_111 = vector.broadcast %shift_right_logical3A_110 : i32 to vector<16xi32>
      %shift_right_logical3A_112 = arith.shrui %get3A_100, %shift_right_logical3A_111 : vector<16xi32>
      %swap3A_113 = arith.constant 1 : i32
      %swap3A_114 = arith.index_cast %swap3A_113 : i32 to index
      %swap3A_115 = arith.constant 32 : index
      %swap3A_116 = tpu.vector_load %arg6[%swap3A_114, %swap3A_115] {strides = array<i32>} : memref<2x128xi32, #tpu.memory_space<vmem>>, vector<1x16xi32>,
      %swap3A_117 = vector.shape_cast %swap3A_116 : vector<1x16xi32> to vector<16xi32>
      %swap3A_118 = vector.shape_cast %shift_right_logical3A_112 : vector<16xi32> to vector<1x16xi32>
      tpu.vector_store %arg6[%swap3A_114, %swap3A_115], %swap3A_118 {strides = array<i32>} : memref<2x128xi32, #tpu.memory_space<vmem>>, vector<1x16xi32>,
      %mul3A_119 = arith.constant 128 : i32
      %mul3A_120 = arith.muli %add3A_47, %mul3A_119 : i32
      %add3A_121 = arith.constant 48 : i32
      %add3A_122 = arith.addi %mul3A_120, %add3A_121 : i32
      %get3A_123 = arith.index_cast %add3A_122 : i32 to index
      %get3A_124 = tpu.vector_load %arg5[%get3A_123] {strides = array<i32>} : memref<14336xi32, #tpu.memory_space<vmem>>, vector<16xi32>,
      %get3A_125 = vector.shape_cast %get3A_124 : vector<16xi32> to vector<16xi32>
      %and3A_126 = arith.constant 65535 : i32
      %and3A_127 = vector.broadcast %and3A_126 : i32 to vector<16xi32>
      %and3A_128 = arith.andi %get3A_125, %and3A_127 : vector<16xi32>
      %swap3A_129 = arith.constant 0 : i32
      %swap3A_130 = arith.index_cast %swap3A_129 : i32 to index
      %swap3A_131 = arith.constant 48 : index
      %swap3A_132 = tpu.vector_load %arg6[%swap3A_130, %swap3A_131] {strides = array<i32>} : memref<2x128xi32, #tpu.memory_space<vmem>>, vector<1x16xi32>,
      %swap3A_133 = vector.shape_cast %swap3A_132 : vector<1x16xi32> to vector<16xi32>
      %swap3A_134 = vector.shape_cast %and3A_128 : vector<16xi32> to vector<1x16xi32>
      tpu.vector_store %arg6[%swap3A_130, %swap3A_131], %swap3A_134 {strides = array<i32>} : memref<2x128xi32, #tpu.memory_space<vmem>>, vector<1x16xi32>,
      %shift_right_logical3A_135 = arith.constant 16 : i32
      %shift_right_logical3A_136 = vector.broadcast %shift_right_logical3A_135 : i32 to vector<16xi32>
      %shift_right_logical3A_137 = arith.shrui %get3A_125, %shift_right_logical3A_136 : vector<16xi32>
      %swap3A_138 = arith.constant 1 : i32
      %swap3A_139 = arith.index_cast %swap3A_138 : i32 to index
      %swap3A_140 = arith.constant 48 : index
      %swap3A_141 = tpu.vector_load %arg6[%swap3A_139, %swap3A_140] {strides = array<i32>} : memref<2x128xi32, #tpu.memory_space<vmem>>, vector<1x16xi32>,
      %swap3A_142 = vector.shape_cast %swap3A_141 : vector<1x16xi32> to vector<16xi32>
      %swap3A_143 = vector.shape_cast %shift_right_logical3A_137 : vector<16xi32> to vector<1x16xi32>
      tpu.vector_store %arg6[%swap3A_139, %swap3A_140], %swap3A_143 {strides = array<i32>} : memref<2x128xi32, #tpu.memory_space<vmem>>, vector<1x16xi32>,
      %mul3A_144 = arith.constant 128 : i32
      %mul3A_145 = arith.muli %add3A_47, %mul3A_144 : i32
      %add3A_146 = arith.constant 64 : i32
      %add3A_147 = arith.addi %mul3A_145, %add3A_146 : i32
      %get3A_148 = arith.index_cast %add3A_147 : i32 to index
      %get3A_149 = tpu.vector_load %arg5[%get3A_148] {strides = array<i32>} : memref<14336xi32, #tpu.memory_space<vmem>>, vector<16xi32>,
      %get3A_150 = vector.shape_cast %get3A_149 : vector<16xi32> to vector<16xi32>
      %and3A_151 = arith.constant 65535 : i32
      %and3A_152 = vector.broadcast %and3A_151 : i32 to vector<16xi32>
      %and3A_153 = arith.andi %get3A_150, %and3A_152 : vector<16xi32>
      %swap3A_154 = arith.constant 0 : i32
      %swap3A_155 = arith.index_cast %swap3A_154 : i32 to index
      %swap3A_156 = arith.constant 64 : index
      %swap3A_157 = tpu.vector_load %arg6[%swap3A_155, %swap3A_156] {strides = array<i32>} : memref<2x128xi32, #tpu.memory_space<vmem>>, vector<1x16xi32>,
      %swap3A_158 = vector.shape_cast %swap3A_157 : vector<1x16xi32> to vector<16xi32>
      %swap3A_159 = vector.shape_cast %and3A_153 : vector<16xi32> to vector<1x16xi32>
      tpu.vector_store %arg6[%swap3A_155, %swap3A_156], %swap3A_159 {strides = array<i32>} : memref<2x128xi32, #tpu.memory_space<vmem>>, vector<1x16xi32>,
      %shift_right_logical3A_160 = arith.constant 16 : i32
      %shift_right_logical3A_161 = vector.broadcast %shift_right_logical3A_160 : i32 to vector<16xi32>
      %shift_right_logical3A_162 = arith.shrui %get3A_150, %shift_right_logical3A_161 : vector<16xi32>
      %swap3A_163 = arith.constant 1 : i32
      %swap3A_164 = arith.index_cast %swap3A_163 : i32 to index
      %swap3A_165 = arith.constant 64 : index
      %swap3A_166 = tpu.vector_load %arg6[%swap3A_164, %swap3A_165] {strides = array<i32>} : memref<2x128xi32, #tpu.memory_space<vmem>>, vector<1x16xi32>,
      %swap3A_167 = vector.shape_cast %swap3A_166 : vector<1x16xi32> to vector<16xi32>
      %swap3A_168 = vector.shape_cast %shift_right_logical3A_162 : vector<16xi32> to vector<1x16xi32>
      tpu.vector_store %arg6[%swap3A_164, %swap3A_165], %swap3A_168 {strides = array<i32>} : memref<2x128xi32, #tpu.memory_space<vmem>>, vector<1x16xi32>,
      %mul3A_169 = arith.constant 128 : i32
      %mul3A_170 = arith.muli %add3A_47, %mul3A_169 : i32
      %add3A_171 = arith.constant 80 : i32
      %add3A_172 = arith.addi %mul3A_170, %add3A_171 : i32
      %get3A_173 = arith.index_cast %add3A_172 : i32 to index
      %get3A_174 = tpu.vector_load %arg5[%get3A_173] {strides = array<i32>} : memref<14336xi32, #tpu.memory_space<vmem>>, vector<16xi32>,
      %get3A_175 = vector.shape_cast %get3A_174 : vector<16xi32> to vector<16xi32>
      %and3A_176 = arith.constant 65535 : i32
      %and3A_177 = vector.broadcast %and3A_176 : i32 to vector<16xi32>
      %and3A_178 = arith.andi %get3A_175, %and3A_177 : vector<16xi32>
      %swap3A_179 = arith.constant 0 : i32
      %swap3A_180 = arith.index_cast %swap3A_179 : i32 to index
      %swap3A_181 = arith.constant 80 : index
      %swap3A_182 = tpu.vector_load %arg6[%swap3A_180, %swap3A_181] {strides = array<i32>} : memref<2x128xi32, #tpu.memory_space<vmem>>, vector<1x16xi32>,
      %swap3A_183 = vector.shape_cast %swap3A_182 : vector<1x16xi32> to vector<16xi32>
      %swap3A_184 = vector.shape_cast %and3A_178 : vector<16xi32> to vector<1x16xi32>
      tpu.vector_store %arg6[%swap3A_180, %swap3A_181], %swap3A_184 {strides = array<i32>} : memref<2x128xi32, #tpu.memory_space<vmem>>, vector<1x16xi32>,
      %shift_right_logical3A_185 = arith.constant 16 : i32
      %shift_right_logical3A_186 = vector.broadcast %shift_right_logical3A_185 : i32 to vector<16xi32>
      %shift_right_logical3A_187 = arith.shrui %get3A_175, %shift_right_logical3A_186 : vector<16xi32>
      %swap3A_188 = arith.constant 1 : i32
      %swap3A_189 = arith.index_cast %swap3A_188 : i32 to index
      %swap3A_190 = arith.constant 80 : index
      %swap3A_191 = tpu.vector_load %arg6[%swap3A_189, %swap3A_190] {strides = array<i32>} : memref<2x128xi32, #tpu.memory_space<vmem>>, vector<1x16xi32>,
      %swap3A_192 = vector.shape_cast %swap3A_191 : vector<1x16xi32> to vector<16xi32>
      %swap3A_193 = vector.shape_cast %shift_right_logical3A_187 : vector<16xi32> to vector<1x16xi32>
      tpu.vector_store %arg6[%swap3A_189, %swap3A_190], %swap3A_193 {strides = array<i32>} : memref<2x128xi32, #tpu.memory_space<vmem>>, vector<1x16xi32>,
      %mul3A_194 = arith.constant 128 : i32
      %mul3A_195 = arith.muli %add3A_47, %mul3A_194 : i32
      %add3A_196 = arith.constant 96 : i32
      %add3A_197 = arith.addi %mul3A_195, %add3A_196 : i32
      %get3A_198 = arith.index_cast %add3A_197 : i32 to index
      %get3A_199 = tpu.vector_load %arg5[%get3A_198] {strides = array<i32>} : memref<14336xi32, #tpu.memory_space<vmem>>, vector<16xi32>,
      %get3A_200 = vector.shape_cast %get3A_199 : vector<16xi32> to vector<16xi32>
      %and3A_201 = arith.constant 65535 : i32
      %and3A_202 = vector.broadcast %and3A_201 : i32 to vector<16xi32>
      %and3A_203 = arith.andi %get3A_200, %and3A_202 : vector<16xi32>
      %swap3A_204 = arith.constant 0 : i32
      %swap3A_205 = arith.index_cast %swap3A_204 : i32 to index
      %swap3A_206 = arith.constant 96 : index
      %swap3A_207 = tpu.vector_load %arg6[%swap3A_205, %swap3A_206] {strides = array<i32>} : memref<2x128xi32, #tpu.memory_space<vmem>>, vector<1x16xi32>,
      %swap3A_208 = vector.shape_cast %swap3A_207 : vector<1x16xi32> to vector<16xi32>
      %swap3A_209 = vector.shape_cast %and3A_203 : vector<16xi32> to vector<1x16xi32>
      tpu.vector_store %arg6[%swap3A_205, %swap3A_206], %swap3A_209 {strides = array<i32>} : memref<2x128xi32, #tpu.memory_space<vmem>>, vector<1x16xi32>,
      %shift_right_logical3A_210 = arith.constant 16 : i32
      %shift_right_logical3A_211 = vector.broadcast %shift_right_logical3A_210 : i32 to vector<16xi32>
      %shift_right_logical3A_212 = arith.shrui %get3A_200, %shift_right_logical3A_211 : vector<16xi32>
      %swap3A_213 = arith.constant 1 : i32
      %swap3A_214 = arith.index_cast %swap3A_213 : i32 to index
      %swap3A_215 = arith.constant 96 : index
      %swap3A_216 = tpu.vector_load %arg6[%swap3A_214, %swap3A_215] {strides = array<i32>} : memref<2x128xi32, #tpu.memory_space<vmem>>, vector<1x16xi32>,
      %swap3A_217 = vector.shape_cast %swap3A_216 : vector<1x16xi32> to vector<16xi32>
      %swap3A_218 = vector.shape_cast %shift_right_logical3A_212 : vector<16xi32> to vector<1x16xi32>
      tpu.vector_store %arg6[%swap3A_214, %swap3A_215], %swap3A_218 {strides = array<i32>} : memref<2x128xi32, #tpu.memory_space<vmem>>, vector<1x16xi32>,
      %mul3A_219 = arith.constant 128 : i32
      %mul3A_220 = arith.muli %add3A_47, %mul3A_219 : i32
      %add3A_221 = arith.constant 112 : i32
      %add3A_222 = arith.addi %mul3A_220, %add3A_221 : i32
      %get3A_223 = arith.index_cast %add3A_222 : i32 to index
      %get3A_224 = tpu.vector_load %arg5[%get3A_223] {strides = array<i32>} : memref<14336xi32, #tpu.memory_space<vmem>>, vector<16xi32>,
      %get3A_225 = vector.shape_cast %get3A_224 : vector<16xi32> to vector<16xi32>
      %and3A_226 = arith.constant 65535 : i32
      %and3A_227 = vector.broadcast %and3A_226 : i32 to vector<16xi32>
      %and3A_228 = arith.andi %get3A_225, %and3A_227 : vector<16xi32>
      %swap3A_229 = arith.constant 0 : i32
      %swap3A_230 = arith.index_cast %swap3A_229 : i32 to index
      %swap3A_231 = arith.constant 112 : index
      %swap3A_232 = tpu.vector_load %arg6[%swap3A_230, %swap3A_231] {strides = array<i32>} : memref<2x128xi32, #tpu.memory_space<vmem>>, vector<1x16xi32>,
      %swap3A_233 = vector.shape_cast %swap3A_232 : vector<1x16xi32> to vector<16xi32>
      %swap3A_234 = vector.shape_cast %and3A_228 : vector<16xi32> to vector<1x16xi32>
      tpu.vector_store %arg6[%swap3A_230, %swap3A_231], %swap3A_234 {strides = array<i32>} : memref<2x128xi32, #tpu.memory_space<vmem>>, vector<1x16xi32>,
      %shift_right_logical3A_235 = arith.constant 16 : i32
      %shift_right_logical3A_236 = vector.broadcast %shift_right_logical3A_235 : i32 to vector<16xi32>
      %shift_right_logical3A_237 = arith.shrui %get3A_225, %shift_right_logical3A_236 : vector<16xi32>
      %swap3A_238 = arith.constant 1 : i32
      %swap3A_239 = arith.index_cast %swap3A_238 : i32 to index
      %swap3A_240 = arith.constant 112 : index
      %swap3A_241 = tpu.vector_load %arg6[%swap3A_239, %swap3A_240] {strides = array<i32>} : memref<2x128xi32, #tpu.memory_space<vmem>>, vector<1x16xi32>,
      %swap3A_242 = vector.shape_cast %swap3A_241 : vector<1x16xi32> to vector<16xi32>
      %swap3A_243 = vector.shape_cast %shift_right_logical3A_237 : vector<16xi32> to vector<1x16xi32>
      tpu.vector_store %arg6[%swap3A_239, %swap3A_240], %swap3A_243 {strides = array<i32>} : memref<2x128xi32, #tpu.memory_space<vmem>>, vector<1x16xi32>,
      %run_scoped3A = arith.constant 0 : i32
      "tpu.region"() ({
        %run_scoped3A_245 = tpu.sem_alloc : memref<!tpu.dma_semaphore, #tpu.memory_space<semaphore_mem>>
        %dma_start3A = arith.constant 0 : i32
        %dma_start3A_246 = tpu.memref_slice %arg6[%run_scoped3A, %dma_start3A] : memref<2x128xi32, #tpu.memory_space<vmem>> -> memref<1x128xi32, #tpu.memory_space<vmem>>
        %dma_start3A_247 = tpu.memref_squeeze %dma_start3A_246 : memref<1x128xi32, #tpu.memory_space<vmem>> -> memref<128xi32, #tpu.memory_space<vmem>>
        %dma_start3A_248 = arith.constant 0 : i32
        %dma_start3A_249 = arith.constant 0 : i32
        %dma_start3A_250 = tpu.memref_slice %arg2[%dma_start3A_248, %dma_start3A_249] : memref<10000x128xf32, #tpu.memory_space<hbm>> -> memref<10000x128xf32, #tpu.memory_space<hbm>>
        tpu.enqueue_indirect_dma source(%dma_start3A_250 : memref<10000x128xf32, #tpu.memory_space<hbm>>) target(%arg7 : memref<128x128xf32, #tpu.memory_space<vmem>>) offsets(%dma_start3A_247 : memref<128xi32, #tpu.memory_space<vmem>>) semaphore(%run_scoped3A_245 : memref<!tpu.dma_semaphore, #tpu.memory_space<semaphore_mem>>)
        %dma_wait3A = arith.constant 0 : i32
        %dma_wait3A_251 = tpu.memref_slice %arg6[%run_scoped3A, %dma_wait3A] : memref<2x128xi32, #tpu.memory_space<vmem>> -> memref<1x128xi32, #tpu.memory_space<vmem>>
        %dma_wait3A_252 = tpu.memref_squeeze %dma_wait3A_251 : memref<1x128xi32, #tpu.memory_space<vmem>> -> memref<128xi32, #tpu.memory_space<vmem>>
        %dma_wait3A_253 = arith.constant 0 : i32
        %dma_wait3A_254 = arith.constant 0 : i32
        %dma_wait3A_255 = tpu.memref_slice %arg2[%dma_wait3A_253, %dma_wait3A_254] : memref<10000x128xf32, #tpu.memory_space<hbm>> -> memref<10000x128xf32, #tpu.memory_space<hbm>>
        tpu.wait_indirect_dma semaphore(%run_scoped3A_245 : memref<!tpu.dma_semaphore, #tpu.memory_space<semaphore_mem>>) src(%dma_wait3A_255 : memref<10000x128xf32, #tpu.memory_space<hbm>>) dst(%arg7 : memref<128x128xf32, #tpu.memory_space<vmem>>)
        tpu.yield
      }) : () -> ()
      %run_scoped3A_244 = arith.constant 1 : i32
      "tpu.region"() ({
        %run_scoped3A_245 = tpu.sem_alloc : memref<!tpu.dma_semaphore, #tpu.memory_space<semaphore_mem>>
        %dma_start3A = arith.constant 0 : i32
        %dma_start3A_246 = tpu.memref_slice %arg6[%run_scoped3A_244, %dma_start3A] : memref<2x128xi32, #tpu.memory_space<vmem>> -> memref<1x128xi32, #tpu.memory_space<vmem>>
        %dma_start3A_247 = tpu.memref_squeeze %dma_start3A_246 : memref<1x128xi32, #tpu.memory_space<vmem>> -> memref<128xi32, #tpu.memory_space<vmem>>
        %dma_start3A_248 = arith.constant 0 : i32
        %dma_start3A_249 = arith.constant 0 : i32
        %dma_start3A_250 = tpu.memref_slice %arg8[%dma_start3A_248, %dma_start3A_249] : memref<10112x128xf32, #tpu.memory_space<vmem_shared>> -> memref<10112x128xf32, #tpu.memory_space<vmem_shared>>
        tpu.enqueue_indirect_dma source(%arg7 : memref<128x128xf32, #tpu.memory_space<vmem>>) target(%dma_start3A_250 : memref<10112x128xf32, #tpu.memory_space<vmem_shared>>) offsets(%dma_start3A_247 : memref<128xi32, #tpu.memory_space<vmem>>) semaphore(%run_scoped3A_245 : memref<!tpu.dma_semaphore, #tpu.memory_space<semaphore_mem>>) {add = true}
        %dma_wait3A = arith.constant 0 : i32
        %dma_wait3A_251 = tpu.memref_slice %arg6[%run_scoped3A_244, %dma_wait3A] : memref<2x128xi32, #tpu.memory_space<vmem>> -> memref<1x128xi32, #tpu.memory_space<vmem>>
        %dma_wait3A_252 = tpu.memref_squeeze %dma_wait3A_251 : memref<1x128xi32, #tpu.memory_space<vmem>> -> memref<128xi32, #tpu.memory_space<vmem>>
        %dma_wait3A_253 = arith.constant 0 : i32
        %dma_wait3A_254 = arith.constant 0 : i32
        %dma_wait3A_255 = tpu.memref_slice %arg8[%dma_wait3A_253, %dma_wait3A_254] : memref<10112x128xf32, #tpu.memory_space<vmem_shared>> -> memref<10112x128xf32, #tpu.memory_space<vmem_shared>>
        tpu.wait_indirect_dma semaphore(%run_scoped3A_245 : memref<!tpu.dma_semaphore, #tpu.memory_space<semaphore_mem>>) src(%arg7 : memref<128x128xf32, #tpu.memory_space<vmem>>) dst(%dma_wait3A_255 : memref<10112x128xf32, #tpu.memory_space<vmem_shared>>)
        tpu.yield
      }) : () -> ()
    }
    %barrier3A_44 = arith.constant 0 : index
    tpu.barrier barrier_id(%barrier3A_44)
    "tpu.region"() ({
      %run_scoped3A = tpu.sem_alloc : memref<!tpu.dma_semaphore, #tpu.memory_space<semaphore_mem>>
      %dma_start3A = arith.constant 0 : i32
      %dma_start3A_45 = tpu.memref_slice %arg4[%arg0, %mul3A_2, %dma_start3A] : memref<2x10112x128xf32, #tpu.memory_space<hbm>> -> memref<1x632x128xf32, #tpu.memory_space<hbm>>
      %dma_start3A_46 = tpu.memref_squeeze %dma_start3A_45 : memref<1x632x128xf32, #tpu.memory_space<hbm>> -> memref<632x128xf32, #tpu.memory_space<hbm>>
      %dma_start3A_47 = arith.constant 0 : i32
      %dma_start3A_48 = tpu.memref_slice %arg8[%mul3A_2, %dma_start3A_47] : memref<10112x128xf32, #tpu.memory_space<vmem_shared>> -> memref<632x128xf32, #tpu.memory_space<vmem_shared>>
      tpu.enqueue_dma source(%dma_start3A_48 : memref<632x128xf32, #tpu.memory_space<vmem_shared>>) target(%dma_start3A_46 : memref<632x128xf32, #tpu.memory_space<hbm>>) target_semaphore(%run_scoped3A : memref<!tpu.dma_semaphore, #tpu.memory_space<semaphore_mem>>)
      %dma_wait3A = arith.constant 0 : i32
      %dma_wait3A_49 = tpu.memref_slice %arg4[%arg0, %mul3A_2, %dma_wait3A] : memref<2x10112x128xf32, #tpu.memory_space<hbm>> -> memref<1x632x128xf32, #tpu.memory_space<hbm>>
      %dma_wait3A_50 = tpu.memref_squeeze %dma_wait3A_49 : memref<1x632x128xf32, #tpu.memory_space<hbm>> -> memref<632x128xf32, #tpu.memory_space<hbm>>
      %dma_wait3A_51 = arith.constant 0 : i32
      %dma_wait3A_52 = tpu.memref_slice %arg8[%mul3A_2, %dma_wait3A_51] : memref<10112x128xf32, #tpu.memory_space<vmem_shared>> -> memref<632x128xf32, #tpu.memory_space<vmem_shared>>
      tpu.wait_dma2 semaphore(%run_scoped3A : memref<!tpu.dma_semaphore, #tpu.memory_space<semaphore_mem>>) src(%dma_wait3A_52 : memref<632x128xf32, #tpu.memory_space<vmem_shared>>) dst(%dma_wait3A_50 : memref<632x128xf32, #tpu.memory_space<hbm>>)
      tpu.yield
    }) : () -> ()
    return
  }
}

module attributes {stable_mosaic.version = 14 : i64} {
  func.func @_mlp_body(%arg0: i32, %arg1: memref<2000x128xf32, #tpu.memory_space<vmem>>, %arg2: memref<2x2000x128xf32, #tpu.memory_space<vmem>>, %arg3: memref<128x128xf32, #tpu.memory_space<vmem>>, %arg4: memref<1x128xf32, #tpu.memory_space<vmem>>, %arg5: memref<128x128xf32, #tpu.memory_space<vmem>>, %arg6: memref<1x128xf32, #tpu.memory_space<vmem>>, %arg7: memref<2000x128xf32, #tpu.memory_space<vmem>>) attributes {dimension_semantics = [#tpu.dimension_semantics<arbitrary>], iteration_bounds = array<i64: 5>, scalar_prefetch = 0 : i64, scratch_operands = 0 : i64, tpu.core_type = #tpu.core_type<tc>, window_params = [{transform_indices = @transform_0, window_bounds = array<i64: 2000, 128>}, {transform_indices = @transform_1, window_bounds = array<i64: 2, 2000, 128>}, {pipeline_mode = #tpu.pipeline_mode<synchronous>, transform_indices = @transform_2, window_bounds = array<i64: 128, 128>}, {pipeline_mode = #tpu.pipeline_mode<synchronous>, transform_indices = @transform_3, window_bounds = array<i64: 1, 128>}, {pipeline_mode = #tpu.pipeline_mode<synchronous>, transform_indices = @transform_4, window_bounds = array<i64: 128, 128>}, {pipeline_mode = #tpu.pipeline_mode<synchronous>, transform_indices = @transform_5, window_bounds = array<i64: 1, 128>}, {transform_indices = @transform_6, window_bounds = array<i64: 2000, 128>}]} {
    %get3A = arith.constant 0 : index
    %get3A_0 = arith.constant 0 : index
    %get3A_1 = vector.load %arg1[%get3A, %get3A_0] : memref<2000x128xf32, #tpu.memory_space<vmem>>, vector<2000x128xf32>
    %get3A_2 = arith.constant 0 : index
    %get3A_3 = arith.constant 0 : index
    %get3A_4 = arith.constant 0 : index
    %get3A_5 = vector.load %arg2[%get3A_2, %get3A_3, %get3A_4] : memref<2x2000x128xf32, #tpu.memory_space<vmem>>, vector<1x2000x128xf32>
    %get3A_6 = vector.shape_cast %get3A_5 : vector<1x2000x128xf32> to vector<2000x128xf32>
    %add3A = arith.addf %get3A_1, %get3A_6 : vector<2000x128xf32>
    %get3A_7 = arith.constant 1 : index
    %get3A_8 = arith.constant 0 : index
    %get3A_9 = arith.constant 0 : index
    %get3A_10 = vector.load %arg2[%get3A_7, %get3A_8, %get3A_9] : memref<2x2000x128xf32, #tpu.memory_space<vmem>>, vector<1x2000x128xf32>
    %get3A_11 = vector.shape_cast %get3A_10 : vector<1x2000x128xf32> to vector<2000x128xf32>
    %add3A_12 = arith.addf %add3A, %get3A_11 : vector<2000x128xf32>
    %get3A_13 = arith.constant 0 : index
    %get3A_14 = arith.constant 0 : index
    %get3A_15 = vector.load %arg3[%get3A_13, %get3A_14] : memref<128x128xf32, #tpu.memory_space<vmem>>, vector<128x128xf32>
    %dot_general3A = arith.constant dense<0.000000e+00> : vector<2000x128xf32>
    %dot_general3A_16 = tpu.matmul %add3A_12, %get3A_15, %dot_general3A {dimension_numbers = #tpu.dot_dimension_numbers<[1], [0], [0], [1], [0, 0, 1, 1], [], []>, transpose_lhs_hint = false} : vector<2000x128xf32>, vector<128x128xf32>, vector<2000x128xf32> -> vector<2000x128xf32>
    %get3A_17 = arith.constant 0 : index
    %get3A_18 = arith.constant 0 : index
    %get3A_19 = vector.load %arg4[%get3A_17, %get3A_18] : memref<1x128xf32, #tpu.memory_space<vmem>>, vector<1x128xf32>
    %add3A_20 = vector.broadcast %get3A_19 : vector<1x128xf32> to vector<2000x128xf32>
    %add3A_21 = arith.addf %dot_general3A_16, %add3A_20 : vector<2000x128xf32>
    %max3A = arith.constant 0.000000e+00 : f32
    %max3A_22 = vector.broadcast %max3A : f32 to vector<2000x128xf32>
    %max3A_23 = arith.maximumf %add3A_21, %max3A_22 : vector<2000x128xf32>
    %get3A_24 = arith.constant 0 : index
    %get3A_25 = arith.constant 0 : index
    %get3A_26 = vector.load %arg5[%get3A_24, %get3A_25] : memref<128x128xf32, #tpu.memory_space<vmem>>, vector<128x128xf32>
    %dot_general3A_27 = arith.constant dense<0.000000e+00> : vector<2000x128xf32>
    %dot_general3A_28 = tpu.matmul %max3A_23, %get3A_26, %dot_general3A_27 {dimension_numbers = #tpu.dot_dimension_numbers<[1], [0], [0], [1], [0, 0, 1, 1], [], []>, transpose_lhs_hint = false} : vector<2000x128xf32>, vector<128x128xf32>, vector<2000x128xf32> -> vector<2000x128xf32>
    %get3A_29 = arith.constant 0 : index
    %get3A_30 = arith.constant 0 : index
    %get3A_31 = vector.load %arg6[%get3A_29, %get3A_30] : memref<1x128xf32, #tpu.memory_space<vmem>>, vector<1x128xf32>
    %add3A_32 = vector.broadcast %get3A_31 : vector<1x128xf32> to vector<2000x128xf32>
    %add3A_33 = arith.addf %dot_general3A_28, %add3A_32 : vector<2000x128xf32>
    %max3A_34 = arith.constant 0.000000e+00 : f32
    %max3A_35 = vector.broadcast %max3A_34 : f32 to vector<2000x128xf32>
    %max3A_36 = arith.maximumf %add3A_33, %max3A_35 : vector<2000x128xf32>
    %swap3A = arith.constant 0 : index
    %swap3A_37 = arith.constant 0 : index
    %swap3A_38 = vector.load %arg7[%swap3A, %swap3A_37] : memref<2000x128xf32, #tpu.memory_space<vmem>>, vector<2000x128xf32>
    tpu.vector_store %arg7[%swap3A, %swap3A_37], %max3A_36 {strides = array<i32>} : memref<2000x128xf32, #tpu.memory_space<vmem>>, vector<2000x128xf32>,
    return
  }
  func.func @transform_0(%arg0: i32) -> (i32, i32) {
    %c0_i32 = arith.constant 0 : i32
    %c0_i32_0 = arith.constant 0 : i32
    return %arg0, %c0_i32 : i32, i32
  }
  func.func @transform_1(%arg0: i32) -> (i32, i32, i32) {
    %c0_i32 = arith.constant 0 : i32
    %c0_i32_0 = arith.constant 0 : i32
    %c0_i32_1 = arith.constant 0 : i32
    return %c0_i32, %arg0, %c0_i32_0 : i32, i32, i32
  }
  func.func @transform_2(%arg0: i32) -> (i32, i32) {
    %c0_i32 = arith.constant 0 : i32
    %c0_i32_0 = arith.constant 0 : i32
    %c0_i32_1 = arith.constant 0 : i32
    return %c0_i32, %c0_i32_0 : i32, i32
  }
  func.func @transform_3(%arg0: i32) -> (i32, i32) {
    %c0_i32 = arith.constant 0 : i32
    %c0_i32_0 = arith.constant 0 : i32
    %c0_i32_1 = arith.constant 0 : i32
    return %c0_i32, %c0_i32_0 : i32, i32
  }
  func.func @transform_4(%arg0: i32) -> (i32, i32) {
    %c0_i32 = arith.constant 0 : i32
    %c0_i32_0 = arith.constant 0 : i32
    %c0_i32_1 = arith.constant 0 : i32
    return %c0_i32, %c0_i32_0 : i32, i32
  }
  func.func @transform_5(%arg0: i32) -> (i32, i32) {
    %c0_i32 = arith.constant 0 : i32
    %c0_i32_0 = arith.constant 0 : i32
    %c0_i32_1 = arith.constant 0 : i32
    return %c0_i32, %c0_i32_0 : i32, i32
  }
  func.func @transform_6(%arg0: i32) -> (i32, i32) {
    %c0_i32 = arith.constant 0 : i32
    %c0_i32_0 = arith.constant 0 : i32
    return %arg0, %c0_i32 : i32, i32
  }
}

module attributes {stable_mosaic.version = 14 : i64} {
  func.func @_pack_body(%arg0: memref<2x320000xi32, #tpu.memory_space<vmem>>, %arg1: memref<332032xi32, #tpu.memory_space<vmem>>) attributes {dimension_semantics = [], scalar_prefetch = 0 : i64, scratch_operands = 0 : i64, tpu.core_type = #tpu.core_type<tc>} {
    %get3A = arith.constant 0 : index
    %get3A_0 = arith.constant 0 : index
    %get3A_1 = vector.load %arg0[%get3A, %get3A_0] : memref<2x320000xi32, #tpu.memory_space<vmem>>, vector<1x320000xi32>
    %get3A_2 = vector.shape_cast %get3A_1 : vector<1x320000xi32> to vector<320000xi32>
    %get3A_3 = arith.constant 1 : index
    %get3A_4 = arith.constant 0 : index
    %get3A_5 = vector.load %arg0[%get3A_3, %get3A_4] : memref<2x320000xi32, #tpu.memory_space<vmem>>, vector<1x320000xi32>
    %get3A_6 = vector.shape_cast %get3A_5 : vector<1x320000xi32> to vector<320000xi32>
    %shift_left3A = arith.constant 16 : i32
    %shift_left3A_7 = vector.broadcast %shift_left3A : i32 to vector<320000xi32>
    %shift_left3A_8 = arith.shli %get3A_6, %shift_left3A_7 : vector<320000xi32>
    %or3A = arith.ori %get3A_2, %shift_left3A_8 : vector<320000xi32>
    %swap3A = arith.constant 0 : index
    %swap3A_9 = vector.load %arg1[%swap3A] : memref<332032xi32, #tpu.memory_space<vmem>>, vector<320000xi32>
    tpu.vector_store %arg1[%swap3A], %or3A {strides = array<i32>} : memref<332032xi32, #tpu.memory_space<vmem>>, vector<320000xi32>,
    %broadcast_in_dim3A = arith.constant 655360000 : i32
    %broadcast_in_dim3A_10 = vector.broadcast %broadcast_in_dim3A : i32 to vector<12032xi32>
    %swap3A_11 = arith.constant 320000 : index
    %swap3A_12 = vector.load %arg1[%swap3A_11] : memref<332032xi32, #tpu.memory_space<vmem>>, vector<12032xi32>
    tpu.vector_store %arg1[%swap3A_11], %broadcast_in_dim3A_10 {strides = array<i32>} : memref<332032xi32, #tpu.memory_space<vmem>>, vector<12032xi32>,
    return
  }
}

</mosaic_0001>

<sc_bundles>
// kernel: kernel.5.cloned.1.call-start
scs
__scs_entry_jumppad:
0x0: {  	(pc) =	sbr.rel $0x88, $3  }
0x1: {  	(tag) =	ssettag $0x0;
	lr =	simm.s32 $0x1  }
0x2: {  	[smem:$0x3F9B] =	sst lr;
	_ =	strace $0xD0000000  }
0x3: {  	_ = 	snop  }
0x4: {  	_ = 	snop  }
0x5: {  	_ = 	snop  }
0x6: {  	_ = 	snop  }
0x7: {  	_ = 	snop  }
__scs_overlays_trampoline_lowered:
0x8: {  	[smem:$0x3FAA] =	sst s0  }
0x9: {  	[smem:$0x3FAB] =	sst s1  }
0xa: {  	[smem:$0x3FAC] =	sst s2  }
0xb: {  	[smem:$0x3FAD] =	sst s3  }
0xc: {  	[smem:$0x3FAE] =	sst s4  }
0xd: {  	[smem:$0x3FAF] =	sst s5  }
0xe: {  	[smem:$0x3FB0] =	sst s6  }
0xf: {  	[smem:$0x3FB1] =	sst s7  }
0x10: {  	[smem:$0x3FB2] =	sst s8  }
0x11: {  	[smem:$0x3FB3] =	sst s9;
	s0 =	simm.s32 @!p0 $0x0  }
0x12: {  	s1 =	sld [smem:$0x3F99];
	s0 =	simm.s32 @p0 $0x1  }
0x13: {  	[smem:$0x3FB4] =	sst s0;
	s0 =	simm.s32 @!p1 $0x0  }
0x14: {  	s2 =	sld [smem:$0x3F98];
	s0 =	simm.s32 @p1 $0x1  }
0x15: {  	[smem:$0x3FB5] =	sst s0;
	s0 =	simm.s32 @!p2 $0x0  }
0x16: {  	s3 =	sld [smem:$0x3FDB];
	s0 =	simm.s32 @p2 $0x1  }
0x17: {  	s4 =	simm.s32 $0x1BF5;
	[smem:$0x3FB7] =	sst s0  }
0x18: {  	s0 =	sld [smem:$0x3F9A];
	_ =	swait.ge [sflag:s4], $0x0  }
0x19: {  	s7 =	sld [smem:$0x3F9B]  }
0x1a: {  	s8 =	sadd.s32 $0xFFFFE003, lr  }
0x1b: {  	s9 =	sadd.s32 $0xFFFFFEF7, lr;
	s5 =	simm.s32 $0xFFFFFFFF;
	p2 =	slt.u32 s8, $0xFFFFF086  }
0x1c: {  	p1 =	slt.u32 s9, $0xF7A;
	s5 =	simm.s32 @!p2 $0x0  }
0x1d: {  	s5 =	simm.s32 @p1 $0x1;
	p0 =	seq.s32 s7, s2  }
0x1e: {  	s7 =	smul.u32 @!p0 $0xF7A, s2;
	p2 =	seq.s32 @!p0 s5, $0x0  }
0x1f: {  	s9 =	smul.u32 $0xF7A, s1;
	s8 =	simm.s32 @!p0 $0x1BF5;
	p2 =	por !p2, p0  }
0x20: {  	[sflag:s8] =	ssyncset.s32 @!p0 $0xFFFFF086;
	s6 =	sadd.s32 @!p0 s3, s7;
	s7 =	simm.s32 @!p0 $0x108  }
0x21: {  	s3 =	sadd.s32 s3, s9;
	s6 =	sadd.s32 @!p0 $0x88, s6;
	s7 =	simm.s32 @p2 $0x1082  }
0x22: {  	[simem:s7], [sflag:s8] =	dma.local @!p0 [hbm:s6], $0xF7A  }
0x23: {  	s9 =	sor.u32 $0xD0000000, s2;
	s6 =	simm.s32 $0x108;
	_ =	swait.ge @!p0 [sflag:s8], $0x0  }
0x24: {  	s3 =	sadd.s32 $0x88, s3;
	s6 =	simm.s32 @!p1 $0x1082;
	[sflag:s4] =	ssyncset.s32 $0xFFFFF086  }
0x25: {  	[simem:s6], [sflag:s4] =	dma.local [hbm:s3], $0xF7A  }
0x26: {  	[smem:$0x3F9B] =	sst s1;
	(tag) =	ssettag s2;
	_ =	strace s9  }
0x27: {  	s1 =	sld [smem:$0x3FAB]  }
0x28: {  	s2 =	sld [smem:$0x3FAC]  }
0x29: {  	s4 =	sld [smem:$0x3FAE]  }
0x2a: {  	p0 =	seq.s32 s5, $0x0;
	s5 =	sld [smem:$0x3FAF]  }
0x2b: {  	s6 =	sld [smem:$0x3FB0]  }
0x2c: {  	s7 =	sld [smem:$0x3FB1]  }
0x2d: {  	s3 =	simm.s32 $0x108;
	s8 =	sld [smem:$0x3FB2]  }
0x2e: {  	s3 =	simm.s32 @!p0 $0x1082;
	s9 =	sld [smem:$0x3FB3]  }
0x2f: {  	lr =	sadd.s32 s0, s3;
	s0 =	sld [smem:$0x3FAA]  }
0x30: {  	s3 =	sld [smem:$0x3FAD]  }
0x31: {  	[smem:$0x3FB6] =	sst s10  }
0x32: {  	s10 =	sld [smem:$0x3FB4];
	_ =	sdelay $0x3  }
0x33: {  	p0 =	seq.s32 s10, $0x1;
	s10 =	sld [smem:$0x3FB6];
	_ =	sdelay $0x3  }
0x34: {  	[smem:$0x3FB6] =	sst s10  }
0x35: {  	s10 =	sld [smem:$0x3FB5];
	_ =	sdelay $0x3  }
0x36: {  	p1 =	seq.s32 s10, $0x1;
	s10 =	sld [smem:$0x3FB6];
	_ =	sdelay $0x3  }
0x37: {  	[smem:$0x3FB6] =	sst s10  }
0x38: {  	s10 =	sld [smem:$0x3FB7]  }
0x39: {  	_ = 	snop;
	(pc) =	sbr.ind lr, $3  }
0x3a: {  	_ = 	snop  }
0x3b: {  	_ = 	snop  }
0x3c: {  	p2 =	seq.s32 s10, $0x1;
	s10 =	sld [smem:$0x3FB6]  }
0x3d: {  	_ =	shalt  }
0x3e: {  	_ =	shalt  }
0x3f: {  	_ =	shalt  }
0x40: {  	_ =	shalt  }
0x41: {  	_ =	shalt  }
0x42: {  	_ =	shalt  }
0x43: {  	_ =	shalt  }
0x44: {  	_ =	shalt  }
0x45: {  	_ =	shalt  }
0x46: {  	_ =	shalt  }
0x47: {  	_ =	shalt  }
0x48: {  	_ =	shalt  }
0x49: {  	_ =	shalt  }
0x4a: {  	_ =	shalt  }
0x4b: {  	_ =	shalt  }
0x4c: {  	_ =	shalt  }
0x4d: {  	_ =	shalt  }
0x4e: {  	_ =	shalt  }
0x4f: {  	_ =	shalt  }
0x50: {  	_ =	shalt  }
0x51: {  	_ =	shalt  }
0x52: {  	_ =	shalt  }
0x53: {  	_ =	shalt  }
0x54: {  	_ =	shalt  }
0x55: {  	_ =	shalt  }
0x56: {  	_ =	shalt  }
0x57: {  	_ =	shalt  }
0x58: {  	_ =	shalt  }
0x59: {  	_ =	shalt  }
0x5a: {  	_ =	shalt  }
0x5b: {  	_ =	shalt  }
0x5c: {  	_ =	shalt  }
0x5d: {  	_ =	shalt  }
0x5e: {  	_ =	shalt  }
0x5f: {  	_ =	shalt  }
0x60: {  	_ =	shalt  }
0x61: {  	_ =	shalt  }
0x62: {  	_ =	shalt  }
0x63: {  	_ =	shalt  }
0x64: {  	_ =	shalt  }
0x65: {  	_ =	shalt  }
0x66: {  	_ =	shalt  }
0x67: {  	_ =	shalt  }
0x68: {  	_ =	shalt  }
0x69: {  	_ =	shalt  }
0x6a: {  	_ =	shalt  }
0x6b: {  	_ =	shalt  }
0x6c: {  	_ =	shalt  }
0x6d: {  	_ =	shalt  }
0x6e: {  	_ =	shalt  }
0x6f: {  	_ =	shalt  }
0x70: {  	_ =	shalt  }
0x71: {  	_ =	shalt  }
0x72: {  	_ =	shalt  }
0x73: {  	_ =	shalt  }
0x74: {  	_ =	shalt  }
0x75: {  	_ =	shalt  }
0x76: {  	_ =	shalt  }
0x77: {  	_ =	shalt  }
0x78: {  	_ =	shalt  }
0x79: {  	_ =	shalt  }
0x7a: {  	_ =	shalt  }
0x7b: {  	_ =	shalt  }
0x7c: {  	_ =	shalt  }
0x7d: {  	_ =	shalt  }
0x7e: {  	_ =	shalt  }
0x7f: {  	_ =	shalt  }
0x80: {  	_ =	shalt  }
0x81: {  	_ =	shalt  }
0x82: {  	_ =	shalt  }
0x83: {  	_ =	shalt  }
0x84: {  	_ =	shalt  }
0x85: {  	_ =	shalt  }
0x86: {  	_ =	shalt  }
0x87: {  	_ =	shalt  }
.Lfunc_end0:
.L_simem_size_0:
called_computation_lowered:
.L_overlay_start_0:
0x88: {  	s2 =	sld [smem:$0x3FD9]  }
0x89: {  	s3 =	sld [smem:$0x3FFE];
	_ =	sdelay $0x1  }
0x8a: {  	s1 =	srdreg.scid  }
0x8b: {  	s0 =	sand.u32 $0x1, s1  }
0x8c: {  	s17 =	sshll.u32 s0, $0xA;
	s2 =	sadd.s32 s3, s2  }
0x8d: {  	s2 =	sadd.s32 s2, s17  }
0x8e: {  	[smem:$0x3FC2] =	sst s2  }
0x8f: {  	_ = 	snop  }
0x90: {  	s2 =	sld [smem:$0x3FC9]  }
0x91: {  	s18 =	sld [smem:$0x3FD0];
	(tm) =	ssettm $0x1  }
0x92: {  	s4 =	sld [smem:$0x3FFB];
	_ =	sdelay $0x3  }
0x93: {  	_ =	strace s4  }
0x94: {  	s4 =	sld [smem:$0x3FFC];
	_ =	sdelay $0x3  }
0x95: {  	_ =	strace s4  }
0x96: {  	s4 =	sld [smem:$0x3FFD];
	_ =	sdelay $0x3  }
0x97: {  	_ =	strace s4  }
0x98: {  	_ =	strace $0x8FFFFFFF  }
0x99: {  	s19 =	sld [smem:$0x3FDB];
	_ =	sdelay $0x1  }
0x9a: {  	s5 =	simm.s32 $_scs_section_size  }
0x9b: {  	s6 =	simm.s32 $_size__tile_overlayer_lowered;
	s7 =	simm.s32 $_tile_overlayer_lowered  }
0x9c: {  	s22 =	simm.s32 $0x1BFF;
	s21 =	sshll.u32 s7, $0x1;
	s4 =	sadd.s32 s5, s19  }
0x9d: {  	s8 =	simm.s32 $0x0;
	s20 =	sshll.u32 s6, $0x1;
	s6 =	sadd.s32 s21, s4  }
0x9e: {  	[timem:s8], [sflag:s22] =	dma.local [hbm:s6], s20  }
0x9f: {  	_ =	swait.ge [sflag:s22], s20  }
0xa0: {  	s5 =	ssub.s32 $0x0, s20;
	[sflag:s22] =	ssyncset.done $0x0  }
0xa1: {  	[sflag:s22] =	ssyncadd.s32 s5;
	_ =	sdelay $0x1  }
0xa2: {  	s23 =	simm.s32 $0x1B8B  }
0xa3: {  	_ =	swait.ge [sflag:s23], $0x1  }
0xa4: {  	[sflag:s23] =	ssyncset.done $0x0  }
0xa5: {  	s25 =	simm.s32 $0x1B8E;
	s24 =	sld [smem:$0x3FFE];
	[sflag:s23] =	ssyncadd.s32 $0xFFFFFFFF  }
0xa6: {  	s26 =	simm.s32 $execute0_lowered;
	[smem:$0x3FD2] =	sst s25  }
0xa7: {  	s6 =	sshll.u32 s26, $0x1;
	_ =	strace $0x80000046;
	[dreg:$0x1] =	wrdreg $0xFFFFFFFF  }
0xa8: {  	s28 =	simm.s32 $_size_execute0_lowered;
	s4 =	sadd.s32 s4, s6;
	[dreg:$0x0] =	wrdreg $0x0  }
0xa9: {  	s6 =	sshll.u32 s28, $0x1;
	[dreg:$0x2] =	wrdreg s4  }
0xaa: {  	[dreg:$0x3] =	wrdreg s6  }
0xab: {  	[dreg:$0x4] =	wrdreg $0xC0  }
0xac: {  	_ =	task [dreg:s8], $0x5FFFF  }
0xad: {  	[dreg:$0x1] =	wrdreg $0xFFFFFFFF  }
0xae: {  	[dreg:$0x0] =	wrdreg $0x60  }
0xaf: {  	[dreg:$0x2] =	wrdreg s2  }
0xb0: {  	[dreg:$0x3] =	wrdreg s18  }
0xb1: {  	[dreg:$0x4] =	wrdreg s24  }
0xb2: {  	[dreg:$0x5] =	wrdreg $0x79000  }
0xb3: {  	[dreg:$0x6] =	wrdreg $0x9  }
0xb4: {  	_ =	task.clear_ibuf [dreg:s8], $0x7FFFF;
	_ =	strace $0x90000046  }
0xb5: {  	s29 =	simm.s32 $0x9;
	_ =	strace $0x80000048  }
0xb6: {  	_ =	swait.ge [sflag:s29], $0x1  }
0xb7: {  	[sflag:s29] =	ssyncadd.s32 $0xFFFFFFFF  }
0xb8: {  	_ =	strace $0x90000048  }
0xb9: {  	_ =	sfence  }
0xba: {  	s30 =	sld [smem:$0x0];
	_ =	sdelay $0x2  }
0xbb: {  	s31 =	sshll.u32 s1, $0xD;
	s1 =	sshrl.u32 s1, $0x2  }
0xbc: {  	s3 =	sand.u32 $0x4000, s31;
	s1 =	sadd.s32 s1, s30  }
0xbd: {  	s0 =	sor.u32 s3, s0;
	s1 =	sshll.u32 s1, $0x11  }
0xbe: {  	s0 =	sor.u32 s1, s0  }
0xbf: {  	s0 =	sadd.s32 $0x8F2B, s0  }
0xc0: {  	[sflag:s0] =	ssyncadd.remote.s32 $0x1  }
0xc1: {  	_ =	sfence.sel $0xFFFF  }
0xc2: {  	[dreg:$0x0] =	wrdreg $0xFFFFFFFF;
	(pc) =	sbr.abs _section_cstart, $3  }
0xc3: {  	[dreg:$0x1] =	wrdreg $0xFFFFFFFF  }
0xc4: {  	_ =	task.clear_ibuf [dreg:s8], $0x2FFFF;
	_ =	strace $0x9FFFFFFF  }
0xc5: {  	(tm) =	ssettm $0x7FFFFFFF  }
tec
execute0_lowered:
.L_overlay_start_1:
0x0: {  	(tag) =	ssettag $0x1  }
0x1: {  	s0 =	rddreg [dreg:$0x0]  }
0x2: {  	s10 =	rddreg [dreg:$0x1]  }
0x3: {  	s5 =	rddreg [dreg:$0x2]  }
0x4: {  	s3 =	rddreg [dreg:$0x3]  }
0x5: {  	s1 =	srdreg.scid;
	s2 =	rddreg [dreg:$0x4];
	s4 =	simm.s32 $0x0  }
0x6: {  	s14 =	simm.s32 $0x3900;
	s15 =	simm.s32 $0x1;
	s6 =	sand.u32 $0x1, s1  }
0x7: {  	s16 =	simm.s32 $0x80;
	s1 =	stileid.u32;
	s7 =	smul.u32 $0x13C000, s6  }
0x8: {  	s17 =	simm.s32 $0x3800;
	s18 =	simm.s32 $0x3880;
	s8 =	smul.u32 $0x13C00, s1  }
0x9: {  	s21 =	simm.s32 $0x0;
	[smem:$0x7FF] =	sst s4;
	s28 =	smul.u32 $0x4F000, s1  }
0xa: {  	_ =	strace $0x80000047;
	s29 =	ssub.s32 $0x2, s6;
	s9 =	smul.u32 $0x1700, s1  }
0xb: {  	p0 =	seq.s32 s6, $0x0;
	s19 =	sshll.u32 s1, $0x6;
	s11 =	sshrl.u32 s29, $0x1  }
0xc: {  	s19 =	sor.u32 $0x1C01, s19;
	s7 =	sadd.s32 s8, s7;
	s30 =	sshrl.u32 s28, $0x2  }
0xd: {  	s8 =	smul.u32 $0x3800, s1;
	s13 =	ssub.s32 s29, s11;
	s11 =	simm.s32 $0x70  }
0xe: {  	s9 =	sadd.s32 $0x38000, s9;
	s7 =	sshrl.u32 s7, $0x3;
	s11 =	simm.s32 @!p0 $0x2E  }
0xf: {  	s13 =	smax.u32 s13, $0x1;
	s12 =	sadd.s32 s7, s5;
	s5 =	sadd.s32 s30, s3  }
0x10: {  	s9 =	smov.u32 @p0 s8;
	s6 =	sadd.s32 $0x4000, s5;
	s7 =	sadd.s32 $0x8000, s5  }
0x11: {  	s8 =	sadd.s32 $0xC000, s5;
	s31 =	sshrl.u32 s9, $0x3;
	s9 =	sadd.s32 $0x10000, s5  }
0x12: {  	v0 =	vimm.f32 $0.0e+00;
	s12 =	sadd.s32 $0x1A00, s12;
	s20 =	sshrl.u32 s5, $0x3;
	s10 =	sadd.s32 s10, s31  }
.LBB2_1:
0x13: {  	s22 =	simm.s32 $0x0;
	s23 =	simm.s32 $0x200  }
.LBB2_2:
0x14: {  	p0 =	sne.s32 s23, $0xFE00;
	[tilespmem:s22+$0x3970] =	vst v0  }
0x15: {  	[tilespmem:s22+$0x3900] =	vst v0  }
0x16: {  	[tilespmem:s22+$0x3910] =	vst v0  }
.Ltmp0:
0x17: {  	[tilespmem:s22+$0x3920] =	vst v0;
	(pc) =	sbr.rel @p0 .LBB2_2-.Ltmp0, $4  }
0x18: {  	[tilespmem:s22+$0x3930] =	vst v0  }
0x19: {  	[tilespmem:s22+$0x3940] =	vst v0  }
0x1a: {  	[tilespmem:s22+$0x3950] =	vst v0  }
0x1b: {  	[tilespmem:s22+$0x3960] =	vst v0;
	s22 =	sshra.s32 s23, $0x2;
	s23 =	sadd.s32 $0x200, s23  }
0x1c: {  	[tilespmem:s22+$0x3970] =	vst v0  }
0x1d: {  	[tilespmem:s22+$0x3900] =	vst v0  }
0x1e: {  	[tilespmem:s22+$0x3910] =	vst v0  }
0x1f: {  	[tilespmem:s22+$0x3920] =	vst v0  }
0x20: {  	[tilespmem:s22+$0x3930] =	vst v0  }
0x21: {  	[tilespmem:s22+$0x3940] =	vst v0  }
0x22: {  	[tilespmem:s22+$0x3950] =	vst v0  }
0x23: {  	[tilespmem:s22+$0x3960] =	vst v0  }
0x24: {  	[spmem:s5] =	stream.linear.scatter [tilespmem:s14], [sflag:$0x1], $0x4000, $0x38;
	[tilespmem:$0x1B500] =	vst v63  }
0x25: {  	_ =	swait.ge [sflag:s15], $0x4000  }
0x26: {  	[sflag:s15] =	ssyncset.done $0x0  }
0x27: {  	[sflag:s15] =	ssyncadd.s32 $0xFFFFC000  }
0x28: {  	[spmem:s6] =	stream.linear.scatter [tilespmem:s14], [sflag:$0x1], $0x4000, $0x38;
	[tilespmem:$0x1B500] =	vst v63  }
0x29: {  	_ =	swait.ge [sflag:s15], $0x4000  }
0x2a: {  	[sflag:s15] =	ssyncset.done $0x0  }
0x2b: {  	[sflag:s15] =	ssyncadd.s32 $0xFFFFC000  }
0x2c: {  	[spmem:s7] =	stream.linear.scatter [tilespmem:s14], [sflag:$0x1], $0x4000, $0x38;
	[tilespmem:$0x1B500] =	vst v63  }
0x2d: {  	_ =	swait.ge [sflag:s15], $0x4000  }
0x2e: {  	[sflag:s15] =	ssyncset.done $0x0  }
0x2f: {  	[sflag:s15] =	ssyncadd.s32 $0xFFFFC000  }
0x30: {  	[spmem:s8] =	stream.linear.scatter [tilespmem:s14], [sflag:$0x1], $0x4000, $0x38;
	[tilespmem:$0x1B500] =	vst v63  }
0x31: {  	_ =	swait.ge [sflag:s15], $0x4000  }
0x32: {  	[sflag:s15] =	ssyncset.done $0x0  }
0x33: {  	[sflag:s15] =	ssyncadd.s32 $0xFFFFC000  }
0x34: {  	[spmem:s9] =	stream.linear.scatter [tilespmem:s14], [sflag:$0x1], $0x3C00, $0x38;
	[tilespmem:$0x1B500] =	vst v63  }
0x35: {  	_ =	swait.ge [sflag:s15], $0x3C00  }
0x36: {  	[sflag:s15] =	ssyncset.done $0x0  }
0x37: {  	[sflag:s15] =	ssyncadd.s32 $0xFFFFC400  }
0x38: {  	[tilespmem:s4], [sflag:$0x1] =	stream.linear.gather [hbm4b:s10+s4], $0x3800, $0x38;
	[tilespmem:$0x1B500] =	vst v63  }
0x39: {  	_ =	swait.ge [sflag:s15], $0x3800  }
0x3a: {  	[sflag:s15] =	ssyncset.done $0x0  }
0x3b: {  	[sflag:s15] =	ssyncadd.s32 $0xFFFFC800  }
0x3c: {  	s22 =	simm.s32 $0x40;
	[bflag:$0x0] =	sbarrier.arrive $0xFFFF  }
0x3d: {  	v1 =	vld [tilespmem:s22+$0xFFFFFFC0];
	_ =	sdelay $0x4  }
0x3e: {  	v2 =	vand.u32 $0xFFFF, v1  }
0x3f: {  	v1 =	vshrl.u32 v1, $0x10;
	[tilespmem:$0x3800] =	vst v2  }
0x40: {  	[tilespmem:$0x3880] =	vst v1  }
0x41: {  	v1 =	vld [tilespmem:s22+$0xFFFFFFD0];
	_ =	sdelay $0x4  }
0x42: {  	v2 =	vand.u32 $0xFFFF, v1  }
0x43: {  	v1 =	vshrl.u32 v1, $0x10;
	[tilespmem:$0x3810] =	vst v2  }
0x44: {  	[tilespmem:$0x3890] =	vst v1  }
0x45: {  	v1 =	vld [tilespmem:s22+$0xFFFFFFE0];
	_ =	sdelay $0x4  }
0x46: {  	v2 =	vand.u32 $0xFFFF, v1  }
0x47: {  	v1 =	vshrl.u32 v1, $0x10;
	[tilespmem:$0x3820] =	vst v2  }
0x48: {  	[tilespmem:$0x38A0] =	vst v1  }
0x49: {  	v1 =	vld [tilespmem:s22+$0xFFFFFFF0];
	_ =	sdelay $0x4  }
0x4a: {  	v2 =	vand.u32 $0xFFFF, v1  }
0x4b: {  	v1 =	vshrl.u32 v1, $0x10;
	[tilespmem:$0x3830] =	vst v2  }
0x4c: {  	[tilespmem:$0x38B0] =	vst v1  }
0x4d: {  	v1 =	vld [tilespmem:s22+$0x0];
	_ =	sdelay $0x4  }
0x4e: {  	v2 =	vand.u32 $0xFFFF, v1  }
0x4f: {  	v1 =	vshrl.u32 v1, $0x10;
	[tilespmem:$0x3840] =	vst v2  }
0x50: {  	[tilespmem:$0x38C0] =	vst v1  }
0x51: {  	v1 =	vld [tilespmem:s22+$0x10];
	_ =	sdelay $0x4  }
0x52: {  	v2 =	vand.u32 $0xFFFF, v1  }
0x53: {  	v1 =	vshrl.u32 v1, $0x10;
	[tilespmem:$0x3850] =	vst v2  }
0x54: {  	[tilespmem:$0x38D0] =	vst v1  }
0x55: {  	v1 =	vld [tilespmem:s22+$0x20];
	_ =	sdelay $0x4  }
0x56: {  	v2 =	vand.u32 $0xFFFF, v1  }
0x57: {  	v1 =	vshrl.u32 v1, $0x10;
	[tilespmem:$0x3860] =	vst v2  }
0x58: {  	[tilespmem:$0x38E0] =	vst v1  }
0x59: {  	v1 =	vld [tilespmem:s22+$0x30]  }
0x5a: {  	p0 =	sne.s32 s11, $0x1  }
.Ltmp1:
0x5b: {  	_ = 	snop;
	(pc) =	sbr.rel @!p0 .LBB2_5-.Ltmp1, $3  }
0x5c: {  	_ =	sdelay $0x1  }
0x5d: {  	v2 =	vand.u32 $0xFFFF, v1  }
0x5e: {  	s23 =	sadd.s32 $0xFFFFFFFF, s11;
	v1 =	vshrl.u32 v1, $0x10;
	[tilespmem:$0x3870] =	vst v2  }
.LBB2_4:
0x5f: {  	p0 =	sne.s32 s23, $0x1;
	s23 =	sadd.s32 $0xFFFFFFFF, s23;
	[tilespmem:$0x38F0] =	vst v1;
	s22 =	sadd.s32 $0x80, s22  }
0x60: {  	[tilespmem:s14], [sflag:$0x1] =	stream.indirect.gather [hbm4b:s0+s16], $0x80, s17, s16, $0xb8;
	[tilespmem:$0x1B500] =	vst v63  }
0x61: {  	_ =	swait.ge [sflag:s15], $0x4000  }
0x62: {  	[sflag:s15] =	ssyncset.done $0x0  }
0x63: {  	[sflag:s15] =	ssyncadd.s32 $0xFFFFC000  }
0x64: {  	[spmem:s3] =	stream.indirect.scatter.add.f32 [tilespmem:s14], [sflag:$0x1], $0x80, s18, s16, $0xb8;
	[tilespmem:$0x1B500] =	vst v63  }
0x65: {  	_ =	swait.ge [sflag:s15], $0x4000  }
0x66: {  	[sflag:s15] =	ssyncset.done $0x0  }
0x67: {  	[sflag:s15] =	ssyncadd.s32 $0xFFFFC000  }
0x68: {  	v1 =	vld [tilespmem:s22+$0xFFFFFFC0];
	_ =	sdelay $0x4  }
0x69: {  	v2 =	vand.u32 $0xFFFF, v1;
	v1 =	vshrl.u32 v1, $0x10  }
0x6a: {  	[tilespmem:$0x3800] =	vst v2  }
0x6b: {  	[tilespmem:$0x3880] =	vst v1  }
0x6c: {  	v1 =	vld [tilespmem:s22+$0xFFFFFFD0];
	_ =	sdelay $0x4  }
0x6d: {  	v2 =	vand.u32 $0xFFFF, v1;
	v1 =	vshrl.u32 v1, $0x10  }
0x6e: {  	[tilespmem:$0x3810] =	vst v2  }
0x6f: {  	[tilespmem:$0x3890] =	vst v1  }
0x70: {  	v1 =	vld [tilespmem:s22+$0xFFFFFFE0];
	_ =	sdelay $0x4  }
0x71: {  	v2 =	vand.u32 $0xFFFF, v1;
	v1 =	vshrl.u32 v1, $0x10  }
0x72: {  	[tilespmem:$0x3820] =	vst v2  }
0x73: {  	[tilespmem:$0x38A0] =	vst v1  }
0x74: {  	v1 =	vld [tilespmem:s22+$0xFFFFFFF0];
	_ =	sdelay $0x4  }
0x75: {  	v2 =	vand.u32 $0xFFFF, v1;
	v1 =	vshrl.u32 v1, $0x10  }
0x76: {  	[tilespmem:$0x3830] =	vst v2  }
0x77: {  	[tilespmem:$0x38B0] =	vst v1  }
0x78: {  	v1 =	vld [tilespmem:s22+$0x0];
	_ =	sdelay $0x4  }
0x79: {  	v2 =	vand.u32 $0xFFFF, v1;
	v1 =	vshrl.u32 v1, $0x10  }
0x7a: {  	[tilespmem:$0x3840] =	vst v2  }
0x7b: {  	[tilespmem:$0x38C0] =	vst v1  }
0x7c: {  	v1 =	vld [tilespmem:s22+$0x10];
	_ =	sdelay $0x4  }
0x7d: {  	v2 =	vand.u32 $0xFFFF, v1;
	v1 =	vshrl.u32 v1, $0x10  }
0x7e: {  	[tilespmem:$0x3850] =	vst v2  }
0x7f: {  	[tilespmem:$0x38D0] =	vst v1  }
0x80: {  	v1 =	vld [tilespmem:s22+$0x20];
	_ =	sdelay $0x4  }
0x81: {  	v2 =	vand.u32 $0xFFFF, v1;
	v1 =	vshrl.u32 v1, $0x10  }
0x82: {  	[tilespmem:$0x3860] =	vst v2  }
0x83: {  	[tilespmem:$0x38E0] =	vst v1  }
0x84: {  	v1 =	vld [tilespmem:s22+$0x30];
	_ =	sdelay $0x1  }
.Ltmp2:
0x85: {  	(pc) =	sbr.rel @p0 .LBB2_4-.Ltmp2, $3  }
0x86: {  	_ =	sdelay $0x1  }
0x87: {  	v2 =	vand.u32 $0xFFFF, v1;
	v1 =	vshrl.u32 v1, $0x10  }
0x88: {  	[tilespmem:$0x3870] =	vst v2  }
.LBB2_5:
0x89: {  	[tilespmem:$0x38F0] =	vst v1  }
0x8a: {  	[tilespmem:s14], [sflag:$0x1] =	stream.indirect.gather [hbm4b:s0+s16], $0x80, s17, s16, $0xb8;
	[tilespmem:$0x1B500] =	vst v63  }
0x8b: {  	_ =	swait.ge [sflag:s15], $0x4000  }
0x8c: {  	[sflag:s15] =	ssyncset.done $0x0  }
0x8d: {  	[sflag:s15] =	ssyncadd.s32 $0xFFFFC000  }
0x8e: {  	[spmem:s3] =	stream.indirect.scatter.add.f32 [tilespmem:s14], [sflag:$0x1], $0x80, s18, s16, $0xb8;
	[tilespmem:$0x1B500] =	vst v63  }
0x8f: {  	_ =	swait.ge [sflag:s15], $0x4000  }
0x90: {  	s21 =	sadd.s32 $0x1, s21;
	[sflag:s15] =	ssyncset.done $0x0  }
0x91: {  	p0 =	sne.s32 s21, s13;
	[sflag:s15] =	ssyncadd.s32 $0xFFFFC000  }
.Ltmp3:
0x92: {  	[bflag:$0x0] =	sbarrier.arrive $0xFFFF;
	(pc) =	sbr.rel @p0 .LBB2_1-.Ltmp3, $4  }
0x93: {  	[hbm:s12], [sflag:s19] =	dma.local [spmem:s20], $0x2780  }
0x94: {  	_ =	swait.ge [sflag:s15], $0x2780  }
0x95: {  	[sflag:s15] =	ssyncset.done $0x0  }
0x96: {  	[sflag:s15] =	ssyncadd.s32 $0xFFFFD880  }
0x97: {  	_ =	sfence.sel $0x180000  }
0x98: {  	[bflag:$0x0] =	sbarrier.arrive $0xFFFF  }
0x99: {  	p0 =	sne.s32 s1, $0x0;
	_ =	strace $0x90000047  }
0x9a: {  	s0 =	sadd.s32 @!p0 $0x100000, s2;
	[bflag:$0x2] =	sbarrier.arrive $0xFFFF  }
0x9b: {  	[sflag:s0] =	ssyncadd.tile.s32 @!p0 $0x1;
	_ =	shalt  }
.Lfunc_end2:
_tile_overlayer_lowered:
.L_overlay_start_2:
0x9c: {  	(tag) =	ssettag $0x2  }
0x9d: {  	s0 =	rddreg [dreg:$0x0];
	s2 =	stileid.u32  }
0x9e: {  	s1 =	rddreg [dreg:$0x1];
	p0 =	sne.s32 s2, $0x0  }
0x9f: {  	s3 =	rddreg [dreg:$0x2];
	[bflag:$0x3] =	sbarrier.arrive $0xFFFF;
	s2 =	simm.s32 @!p0 $0x1C01  }
0xa0: {  	[timem:s3], [sflag:s2] =	dma.local @!p0 [hbm:s0], s1  }
0xa1: {  	s0 =	simm.s32 @!p0 $0x1  }
0xa2: {  	_ =	swait.ge @!p0 [sflag:s0], s1  }
0xa3: {  	s1 =	ssub.s32 @!p0 $0x0, s1;
	[sflag:s0] =	ssyncset.done @!p0 $0x0  }
0xa4: {  	[sflag:s0] =	ssyncadd.s32 @!p0 s1  }
0xa5: {  	[bflag:$0x3] =	sbarrier.arrive $0xFFFF  }
0xa6: {  	_ =	shalt  }

</sc_bundles>
